<compile_context>
chip_gen: v7x
topology: tpu7x:2x2x1
jax: 0.10.2.dev20260603
libtpu: 0.0.44.dev20260713+nightly
codegen_flags: <defaults>
</compile_context>

<pallas_src>
import functools

import jax
import jax.numpy as jnp
from jax import lax
from jax.experimental import pallas as pl
from jax.experimental.pallas import tpu as pltpu
from jax.experimental.pallas import tpu_sc as plsc

_N_SEG = 10000
_NNZ = 320000
_D = 128
_EPS = 1e-16

_NC = 2
_NS = 16
_NW = _NC * _NS
_CHUNK = _NNZ // _NW
_BLK = 80
_NBLK = _CHUNK // _BLK
_SEGB = _N_SEG // _BLK
_CROWS = 80
_SEG_OFF = _NNZ


def _sc_scatter(values, seg):
    mesh = plsc.VectorSubcoreMesh(core_axis_name="c", subcore_axis_name="s")

    @functools.partial(
        pl.kernel,
        out_type=(
            jax.ShapeDtypeStruct((_NC, _SEGB, _BLK, _D), jnp.float32),
            jax.ShapeDtypeStruct((_NC, _CROWS, _D), jnp.float32),
        ),
        mesh=mesh,
        scratch_types=[
            pltpu.VMEM((_BLK, _D), jnp.float32),
            pltpu.VMEM((_BLK, _D), jnp.float32),
            pltpu.VMEM((_BLK, _D), jnp.float32),
            pltpu.VMEM((_BLK,), jnp.int32),
            pltpu.VMEM((_BLK,), jnp.int32),
            pltpu.VMEM((_BLK,), jnp.int32),
            pltpu.VMEM((_CROWS, _D), jnp.float32),
            pltpu.VMEM((_CROWS,), jnp.int32),
            pltpu.VMEM_SHARED((_N_SEG, _D), jnp.float32),
            pltpu.VMEM_SHARED((_CROWS, _D), jnp.float32),
            pltpu.SemaphoreType.DMA,
            pltpu.SemaphoreType.DMA,
            pltpu.SemaphoreType.DMA,
            pltpu.SemaphoreType.DMA,
            pltpu.SemaphoreType.DMA,
            pltpu.SemaphoreType.DMA,
        ],
        compiler_params=pltpu.CompilerParams(needs_layout_passes=False),
    )
    def k(values_hbm, seg_hbm, pooled_out, counts_out,
          val_b0, val_b1, val_b2, idx_b0, idx_b1, idx_b2, hist_b, lin_b,
          pooled_sh, counts_sh, lsem0, lsem1, lsem2, ssem0, ssem1, ssem2):
        c = lax.axis_index("c")
        s = lax.axis_index("s")
        base = (c * _NS + s) * _CHUNK

        val_b = (val_b0, val_b1, val_b2)
        idx_b = (idx_b0, idx_b1, idx_b2)
        lsem = (lsem0, lsem1, lsem2)
        ssem = (ssem0, ssem1, ssem2)

        zeros16 = jnp.zeros((16,), jnp.float32)
        ones16 = jnp.ones((16,), jnp.float32)
        iota16 = lax.iota(jnp.int32, 16)

        def start_load(i, b):
            off = _SEG_OFF + base + i * _BLK
            pltpu.async_copy(seg_hbm.at[pl.ds(off, _BLK)], idx_b[b], lsem[b])
            off = base + i * _BLK
            pltpu.async_copy(values_hbm.at[pl.ds(off, _BLK)], val_b[b], lsem[b])

        def wait_load(b):
            pltpu.make_async_copy(seg_hbm.at[pl.ds(0, _BLK)],
                                  idx_b[b], lsem[b]).wait()
            pltpu.make_async_copy(values_hbm.at[pl.ds(0, _BLK)],
                                  val_b[b], lsem[b]).wait()

        def wait_scatter(b):
            pltpu.make_async_copy(values_hbm.at[pl.ds(0, _BLK)],
                                  val_b[b], ssem[b]).wait()

        start_load(0, 0)
        start_load(1, 1)

        def fill_zero(r, _):
            for j in range(_D // 16):
                hist_b[r, pl.ds(j * 16, 16)] = zeros16
            return _

        lax.fori_loop(0, _CROWS, fill_zero, None)

        for t in range(_CROWS // 16):
            lin_b[pl.ds(t * 16, 16)] = iota16 + (16 * t)

        def zero_blocks(t, _):
            blk = t * _NS + s

            @pl.when(blk < _SEGB)
            def _do():
                pltpu.sync_copy(hist_b, pooled_sh.at[pl.ds(blk * _CROWS,
                                                           _CROWS)])

            return _

        lax.fori_loop(0, (_SEGB + _NS - 1) // _NS, zero_blocks, None)

        @pl.when(s == 0)
        def _zero_counts():
            pltpu.sync_copy(hist_b, counts_sh)

        plsc.subcore_barrier()

        def process(i, b, drain):
            wait_load(b)
            pltpu.async_copy(val_b[b], pooled_sh.at[idx_b[b]], ssem[b],
                             add=True)
            for j in range(_BLK // 16):
                idxv = idx_b[b][pl.ds(j * 16, 16)]
                row = lax.shift_right_logical(idxv, 7)
                col = lax.bitwise_and(idxv, 127)
                plsc.addupdate_scatter(hist_b, [row, col], ones16)
            if drain:
                wait_scatter((b + 2) % 3)

            @pl.when(i + 2 < _NBLK)
            def _next():
                start_load(i + 2, (b + 2) % 3)

        process(0, 0, False)
        process(1, 1, True)

        def body(g, _):
            i = g * 3 + 2
            process(i, 2, True)
            process(i + 1, 0, True)
            process(i + 2, 1, True)
            return _

        lax.fori_loop(0, (_NBLK - 2) // 3, body, None)
        wait_scatter((_NBLK - 1) % 3)
        plsc.subcore_barrier()

        pltpu.sync_copy(hist_b, counts_sh.at[lin_b], add=True)

        def writeback(t, _):
            blk = t * _NS + s

            @pl.when(blk < _SEGB)
            def _do():
                pltpu.sync_copy(pooled_sh.at[pl.ds(blk * _CROWS, _CROWS)],
                                hist_b)
                pltpu.sync_copy(hist_b, pooled_out.at[c, blk])

            return _

        lax.fori_loop(0, (_SEGB + _NS - 1) // _NS, writeback, None)
        plsc.subcore_barrier()

        @pl.when(s == 0)
        def _write_counts():
            pltpu.sync_copy(counts_sh, hist_b)
            pltpu.sync_copy(hist_b, counts_out.at[c])

    return k(values, seg)


def _tc_merge(pooled, cnt_t):
    blk = 1000

    def k(p0_ref, p1_ref, c_ref, o_ref):
        n = jnp.sum(c_ref[...], axis=1, keepdims=True) + _EPS
        o_ref[...] = (p0_ref[0] + p1_ref[0]) / n

    grid = _N_SEG // blk
    return pl.pallas_call(
        k,
        grid=(grid,),
        in_specs=[
            pl.BlockSpec((1, blk, _D), lambda i: (0, i, 0)),
            pl.BlockSpec((1, blk, _D), lambda i: (1, i, 0)),
            pl.BlockSpec((blk, _NC), lambda i: (i, 0)),
        ],
        out_specs=pl.BlockSpec((blk, _D), lambda i: (i, 0)),
        out_shape=jax.ShapeDtypeStruct((_N_SEG, _D), jnp.float32),
    )(pooled, pooled, cnt_t)


@jax.jit
def kernel(tens_values, tens_indices):
    seg = tens_indices.astype(jnp.int32).reshape(2 * _NNZ)
    pooled, counts = _sc_scatter(tens_values, seg)
    pooled = pooled.reshape(_NC, _N_SEG, _D)
    cnt_t = counts.reshape(_NC, _CROWS * _D).transpose(1, 0)
    return _tc_merge(pooled, cnt_t)

# --- scband reference (transcript-rebuilt; emitter-appended) ---
"""Pipeline reference for scband-pool-reduce-25503515803829 (READ-ONLY COPY).

The authoritative reference and input builder live on the scoring server;
editing this copy changes nothing except your own understanding.
"""

import jax, jax.numpy as jnp
import numpy as np

N_SEGMENTS = 10000  # sparse matrix is [10000, 10000] with hybrid dense dim 128
NNZ = 320000
D = 128
AXIS = 0
EPS = 1e-16


def setup_inputs(seed: int = 0) -> dict:
    key = jax.random.key(seed)
    k1, k2 = jax.random.split(key, 2)
    tens_indices = jax.random.randint(k1, (2, NNZ), 0, N_SEGMENTS)
    tens_values = jax.random.normal(k2, (NNZ, D), dtype=jnp.float32)
    return {"tens_values": tens_values, "tens_indices": tens_indices}


def reference(tens_values, tens_indices):
    # torch: sum sparse tensor over dim=axis, divide by per-group nonzero counts (+eps)
    # summing over dim AXIS means grouping by the OTHER sparse index
    seg = tens_indices[1 - AXIS]
    ones = jnp.ones((seg.shape[0],), dtype=jnp.float32)
    n = jax.ops.segment_sum(ones, seg, num_segments=N_SEGMENTS) + EPS
    pooled = jax.ops.segment_sum(tens_values, seg, num_segments=N_SEGMENTS)
    return pooled / n[:, None]

if __name__ == "__main__":
    import jax
    _d = setup_inputs()
    print(jax.jit(kernel)(*tuple(_d.values())))

</pallas_src>

<mosaic_0001>
#map = affine_map<(d0, d1) -> (0, 0)>
#map1 = affine_map<(d0, d1) -> (0)>
#map2 = affine_map<(d0, d1) -> (0, 0, 0, 0)>
#map3 = affine_map<(d0, d1) -> (0, 0, 0)>
module attributes {stable_mosaic.version = 14 : i64} {
  func.func @k(%arg0: i32, %arg1: i32, %arg2: memref<320000x128xf32, #tpu.memory_space<hbm>>, %arg3: memref<640000xi32, #tpu.memory_space<hbm>>, %arg4: memref<2x125x80x128xf32, #tpu.memory_space<hbm>>, %arg5: memref<2x80x128xf32, #tpu.memory_space<hbm>>, %arg6: memref<80x128xf32, #tpu.memory_space<vmem>>, %arg7: memref<80x128xf32, #tpu.memory_space<vmem>>, %arg8: memref<80x128xf32, #tpu.memory_space<vmem>>, %arg9: memref<80xi32, #tpu.memory_space<vmem>>, %arg10: memref<80xi32, #tpu.memory_space<vmem>>, %arg11: memref<80xi32, #tpu.memory_space<vmem>>, %arg12: memref<80x128xf32, #tpu.memory_space<vmem>>, %arg13: memref<80xi32, #tpu.memory_space<vmem>>, %arg14: memref<10000x128xf32, #tpu.memory_space<vmem_shared>>, %arg15: memref<80x128xf32, #tpu.memory_space<vmem_shared>>, %arg16: memref<!tpu.dma_semaphore, #tpu.memory_space<semaphore_mem>>, %arg17: memref<!tpu.dma_semaphore, #tpu.memory_space<semaphore_mem>>, %arg18: memref<!tpu.dma_semaphore, #tpu.memory_space<semaphore_mem>>, %arg19: memref<!tpu.dma_semaphore, #tpu.memory_space<semaphore_mem>>, %arg20: memref<!tpu.dma_semaphore, #tpu.memory_space<semaphore_mem>>, %arg21: memref<!tpu.dma_semaphore, #tpu.memory_space<semaphore_mem>>) attributes {dimension_semantics = [#tpu.dimension_semantics<core_parallel>, #tpu.dimension_semantics<subcore_parallel>], iteration_bounds = array<i64: 2, 16>, scalar_prefetch = 0 : i64, scratch_operands = 16 : i64, tpu.core_type = #tpu.core_type<sc_vector_subcore>, window_params = [{transform_indices = #map}, {transform_indices = #map1}, {transform_indices = #map2}, {transform_indices = #map3}]} {
    %mul3A = arith.constant 16 : i32
    %mul3A_0 = arith.muli %arg0, %mul3A : i32
    %add3A = arith.addi %mul3A_0, %arg1 : i32
    %mul3A_1 = arith.constant 10000 : i32
    %mul3A_2 = arith.muli %add3A, %mul3A_1 : i32
    %broadcast_in_dim3A = arith.constant 0.000000e+00 : f32
    %broadcast_in_dim3A_3 = vector.broadcast %broadcast_in_dim3A : f32 to vector<16xf32>
    %broadcast_in_dim3A_4 = arith.constant 1.000000e+00 : f32
    %broadcast_in_dim3A_5 = vector.broadcast %broadcast_in_dim3A_4 : f32 to vector<16xf32>
    %iota3A = tpu.iota {dimensions = array<i32: 0>} : vector<16xi32>
    %add3A_6 = arith.constant 320000 : i32
    %add3A_7 = arith.addi %add3A_6, %mul3A_2 : i32
    %add3A_8 = arith.constant 0 : i32
    %add3A_9 = arith.addi %add3A_7, %add3A_8 : i32
    %dma_start3A = tpu.memref_slice %arg3[%add3A_9] : memref<640000xi32, #tpu.memory_space<hbm>> -> memref<80xi32, #tpu.memory_space<hbm>>
    %dma_start3A_10 = tpu.memref_slice %arg3[%add3A_9] : memref<640000xi32, #tpu.memory_space<hbm>> -> memref<80xi32, #tpu.memory_space<hbm>>
    tpu.enqueue_dma source(%dma_start3A_10 : memref<80xi32, #tpu.memory_space<hbm>>) target(%arg9 : memref<80xi32, #tpu.memory_space<vmem>>) target_semaphore(%arg16 : memref<!tpu.dma_semaphore, #tpu.memory_space<semaphore_mem>>)
    %add3A_11 = arith.constant 0 : i32
    %add3A_12 = arith.addi %mul3A_2, %add3A_11 : i32
    %dma_start3A_13 = arith.constant 0 : i32
    %dma_start3A_14 = tpu.memref_slice %arg2[%add3A_12, %dma_start3A_13] : memref<320000x128xf32, #tpu.memory_space<hbm>> -> memref<80x128xf32, #tpu.memory_space<hbm>>
    %dma_start3A_15 = arith.constant 0 : i32
    %dma_start3A_16 = tpu.memref_slice %arg2[%add3A_12, %dma_start3A_15] : memref<320000x128xf32, #tpu.memory_space<hbm>> -> memref<80x128xf32, #tpu.memory_space<hbm>>
    tpu.enqueue_dma source(%dma_start3A_16 : memref<80x128xf32, #tpu.memory_space<hbm>>) target(%arg6 : memref<80x128xf32, #tpu.memory_space<vmem>>) target_semaphore(%arg16 : memref<!tpu.dma_semaphore, #tpu.memory_space<semaphore_mem>>)
    %add3A_17 = arith.constant 320000 : i32
    %add3A_18 = arith.addi %add3A_17, %mul3A_2 : i32
    %add3A_19 = arith.constant 80 : i32
    %add3A_20 = arith.addi %add3A_18, %add3A_19 : i32
    %dma_start3A_21 = tpu.memref_slice %arg3[%add3A_20] : memref<640000xi32, #tpu.memory_space<hbm>> -> memref<80xi32, #tpu.memory_space<hbm>>
    %dma_start3A_22 = tpu.memref_slice %arg3[%add3A_20] : memref<640000xi32, #tpu.memory_space<hbm>> -> memref<80xi32, #tpu.memory_space<hbm>>
    tpu.enqueue_dma source(%dma_start3A_22 : memref<80xi32, #tpu.memory_space<hbm>>) target(%arg10 : memref<80xi32, #tpu.memory_space<vmem>>) target_semaphore(%arg17 : memref<!tpu.dma_semaphore, #tpu.memory_space<semaphore_mem>>)
    %add3A_23 = arith.constant 80 : i32
    %add3A_24 = arith.addi %mul3A_2, %add3A_23 : i32
    %dma_start3A_25 = arith.constant 0 : i32
    %dma_start3A_26 = tpu.memref_slice %arg2[%add3A_24, %dma_start3A_25] : memref<320000x128xf32, #tpu.memory_space<hbm>> -> memref<80x128xf32, #tpu.memory_space<hbm>>
    %dma_start3A_27 = arith.constant 0 : i32
    %dma_start3A_28 = tpu.memref_slice %arg2[%add3A_24, %dma_start3A_27] : memref<320000x128xf32, #tpu.memory_space<hbm>> -> memref<80x128xf32, #tpu.memory_space<hbm>>
    tpu.enqueue_dma source(%dma_start3A_28 : memref<80x128xf32, #tpu.memory_space<hbm>>) target(%arg7 : memref<80x128xf32, #tpu.memory_space<vmem>>) target_semaphore(%arg17 : memref<!tpu.dma_semaphore, #tpu.memory_space<semaphore_mem>>)
    %scan3A = arith.constant 0 : i32
    %scan3A_29 = arith.constant 80 : i32
    %scan3A_30 = arith.addi %scan3A, %scan3A_29 : i32
    %scan3A_31 = arith.constant 1 : i32
    scf.for %scan3A_219 = %scan3A to %scan3A_30 step %scan3A_31  : i32 {
      %swap3A_220 = arith.index_cast %scan3A_219 : i32 to index
      %swap3A_221 = arith.constant 0 : index
      %swap3A_222 = tpu.vector_load %arg12[%swap3A_220, %swap3A_221] {strides = array<i32>} : memref<80x128xf32, #tpu.memory_space<vmem>>, vector<16xf32>,
      tpu.vector_store %arg12[%swap3A_220, %swap3A_221], %broadcast_in_dim3A_3 {strides = array<i32>} : memref<80x128xf32, #tpu.memory_space<vmem>>, vector<16xf32>,
      %swap3A_223 = arith.index_cast %scan3A_219 : i32 to index
      %swap3A_224 = arith.constant 16 : index
      %swap3A_225 = tpu.vector_load %arg12[%swap3A_223, %swap3A_224] {strides = array<i32>} : memref<80x128xf32, #tpu.memory_space<vmem>>, vector<16xf32>,
      tpu.vector_store %arg12[%swap3A_223, %swap3A_224], %broadcast_in_dim3A_3 {strides = array<i32>} : memref<80x128xf32, #tpu.memory_space<vmem>>, vector<16xf32>,
      %swap3A_226 = arith.index_cast %scan3A_219 : i32 to index
      %swap3A_227 = arith.constant 32 : index
      %swap3A_228 = tpu.vector_load %arg12[%swap3A_226, %swap3A_227] {strides = array<i32>} : memref<80x128xf32, #tpu.memory_space<vmem>>, vector<16xf32>,
      tpu.vector_store %arg12[%swap3A_226, %swap3A_227], %broadcast_in_dim3A_3 {strides = array<i32>} : memref<80x128xf32, #tpu.memory_space<vmem>>, vector<16xf32>,
      %swap3A_229 = arith.index_cast %scan3A_219 : i32 to index
      %swap3A_230 = arith.constant 48 : index
      %swap3A_231 = tpu.vector_load %arg12[%swap3A_229, %swap3A_230] {strides = array<i32>} : memref<80x128xf32, #tpu.memory_space<vmem>>, vector<16xf32>,
      tpu.vector_store %arg12[%swap3A_229, %swap3A_230], %broadcast_in_dim3A_3 {strides = array<i32>} : memref<80x128xf32, #tpu.memory_space<vmem>>, vector<16xf32>,
      %swap3A_232 = arith.index_cast %scan3A_219 : i32 to index
      %swap3A_233 = arith.constant 64 : index
      %swap3A_234 = tpu.vector_load %arg12[%swap3A_232, %swap3A_233] {strides = array<i32>} : memref<80x128xf32, #tpu.memory_space<vmem>>, vector<16xf32>,
      tpu.vector_store %arg12[%swap3A_232, %swap3A_233], %broadcast_in_dim3A_3 {strides = array<i32>} : memref<80x128xf32, #tpu.memory_space<vmem>>, vector<16xf32>,
      %swap3A_235 = arith.index_cast %scan3A_219 : i32 to index
      %swap3A_236 = arith.constant 80 : index
      %swap3A_237 = tpu.vector_load %arg12[%swap3A_235, %swap3A_236] {strides = array<i32>} : memref<80x128xf32, #tpu.memory_space<vmem>>, vector<16xf32>,
      tpu.vector_store %arg12[%swap3A_235, %swap3A_236], %broadcast_in_dim3A_3 {strides = array<i32>} : memref<80x128xf32, #tpu.memory_space<vmem>>, vector<16xf32>,
      %swap3A_238 = arith.index_cast %scan3A_219 : i32 to index
      %swap3A_239 = arith.constant 96 : index
      %swap3A_240 = tpu.vector_load %arg12[%swap3A_238, %swap3A_239] {strides = array<i32>} : memref<80x128xf32, #tpu.memory_space<vmem>>, vector<16xf32>,
      tpu.vector_store %arg12[%swap3A_238, %swap3A_239], %broadcast_in_dim3A_3 {strides = array<i32>} : memref<80x128xf32, #tpu.memory_space<vmem>>, vector<16xf32>,
      %swap3A_241 = arith.index_cast %scan3A_219 : i32 to index
      %swap3A_242 = arith.constant 112 : index
      %swap3A_243 = tpu.vector_load %arg12[%swap3A_241, %swap3A_242] {strides = array<i32>} : memref<80x128xf32, #tpu.memory_space<vmem>>, vector<16xf32>,
      tpu.vector_store %arg12[%swap3A_241, %swap3A_242], %broadcast_in_dim3A_3 {strides = array<i32>} : memref<80x128xf32, #tpu.memory_space<vmem>>, vector<16xf32>,
    }
    %scan3A_32 = arith.constant 80 : i32
    %add3A_33 = arith.constant 0 : i32
    %add3A_34 = vector.broadcast %add3A_33 : i32 to vector<16xi32>
    %add3A_35 = arith.addi %iota3A, %add3A_34 : vector<16xi32>
    %swap3A = arith.constant 0 : index
    %swap3A_36 = tpu.vector_load %arg13[%swap3A] {strides = array<i32>} : memref<80xi32, #tpu.memory_space<vmem>>, vector<16xi32>,
    tpu.vector_store %arg13[%swap3A], %add3A_35 {strides = array<i32>} : memref<80xi32, #tpu.memory_space<vmem>>, vector<16xi32>,
    %add3A_37 = arith.constant 16 : i32
    %add3A_38 = vector.broadcast %add3A_37 : i32 to vector<16xi32>
    %add3A_39 = arith.addi %iota3A, %add3A_38 : vector<16xi32>
    %swap3A_40 = arith.constant 16 : index
    %swap3A_41 = tpu.vector_load %arg13[%swap3A_40] {strides = array<i32>} : memref<80xi32, #tpu.memory_space<vmem>>, vector<16xi32>,
    tpu.vector_store %arg13[%swap3A_40], %add3A_39 {strides = array<i32>} : memref<80xi32, #tpu.memory_space<vmem>>, vector<16xi32>,
    %add3A_42 = arith.constant 32 : i32
    %add3A_43 = vector.broadcast %add3A_42 : i32 to vector<16xi32>
    %add3A_44 = arith.addi %iota3A, %add3A_43 : vector<16xi32>
    %swap3A_45 = arith.constant 32 : index
    %swap3A_46 = tpu.vector_load %arg13[%swap3A_45] {strides = array<i32>} : memref<80xi32, #tpu.memory_space<vmem>>, vector<16xi32>,
    tpu.vector_store %arg13[%swap3A_45], %add3A_44 {strides = array<i32>} : memref<80xi32, #tpu.memory_space<vmem>>, vector<16xi32>,
    %add3A_47 = arith.constant 48 : i32
    %add3A_48 = vector.broadcast %add3A_47 : i32 to vector<16xi32>
    %add3A_49 = arith.addi %iota3A, %add3A_48 : vector<16xi32>
    %swap3A_50 = arith.constant 48 : index
    %swap3A_51 = tpu.vector_load %arg13[%swap3A_50] {strides = array<i32>} : memref<80xi32, #tpu.memory_space<vmem>>, vector<16xi32>,
    tpu.vector_store %arg13[%swap3A_50], %add3A_49 {strides = array<i32>} : memref<80xi32, #tpu.memory_space<vmem>>, vector<16xi32>,
    %add3A_52 = arith.constant 64 : i32
    %add3A_53 = vector.broadcast %add3A_52 : i32 to vector<16xi32>
    %add3A_54 = arith.addi %iota3A, %add3A_53 : vector<16xi32>
    %swap3A_55 = arith.constant 64 : index
    %swap3A_56 = tpu.vector_load %arg13[%swap3A_55] {strides = array<i32>} : memref<80xi32, #tpu.memory_space<vmem>>, vector<16xi32>,
    tpu.vector_store %arg13[%swap3A_55], %add3A_54 {strides = array<i32>} : memref<80xi32, #tpu.memory_space<vmem>>, vector<16xi32>,
    %scan3A_57 = arith.constant 0 : i32
    %scan3A_58 = arith.constant 8 : i32
    %scan3A_59 = arith.addi %scan3A_57, %scan3A_58 : i32
    %scan3A_60 = arith.constant 1 : i32
    scf.for %scan3A_219 = %scan3A_57 to %scan3A_59 step %scan3A_60  : i32 {
      %mul3A_220 = arith.constant 16 : i32
      %mul3A_221 = arith.muli %scan3A_219, %mul3A_220 : i32
      %add3A_222 = arith.addi %mul3A_221, %arg1 : i32
      %lt3A = arith.constant 125 : i32
      %lt3A_223 = arith.cmpi slt, %add3A_222, %lt3A : i32
      %convert_element_type3A_224 = arith.extui %lt3A_223 : i1 to i32
      %cond3A_225 = arith.constant 0 : i32
      %cond3A_226 = arith.cmpi ne, %convert_element_type3A_224, %cond3A_225 : i32
      scf.if %cond3A_226 {
        %mul3A_227 = arith.constant 80 : i32
        %mul3A_228 = arith.muli %add3A_222, %mul3A_227 : i32
        "tpu.region"() ({
          %run_scoped3A = tpu.sem_alloc : memref<!tpu.dma_semaphore, #tpu.memory_space<semaphore_mem>>
          %dma_start3A_229 = arith.constant 0 : i32
          %dma_start3A_230 = tpu.memref_slice %arg14[%mul3A_228, %dma_start3A_229] : memref<10000x128xf32, #tpu.memory_space<vmem_shared>> -> memref<80x128xf32, #tpu.memory_space<vmem_shared>>
          %dma_start3A_231 = arith.constant 0 : i32
          %dma_start3A_232 = tpu.memref_slice %arg14[%mul3A_228, %dma_start3A_231] : memref<10000x128xf32, #tpu.memory_space<vmem_shared>> -> memref<80x128xf32, #tpu.memory_space<vmem_shared>>
          tpu.enqueue_dma source(%arg12 : memref<80x128xf32, #tpu.memory_space<vmem>>) target(%dma_start3A_232 : memref<80x128xf32, #tpu.memory_space<vmem_shared>>) target_semaphore(%run_scoped3A : memref<!tpu.dma_semaphore, #tpu.memory_space<semaphore_mem>>)
          %dma_wait3A_233 = arith.constant 0 : i32
          %dma_wait3A_234 = tpu.memref_slice %arg14[%mul3A_228, %dma_wait3A_233] : memref<10000x128xf32, #tpu.memory_space<vmem_shared>> -> memref<80x128xf32, #tpu.memory_space<vmem_shared>>
          %dma_wait3A_235 = arith.constant 0 : i32
          %dma_wait3A_236 = tpu.memref_slice %arg14[%mul3A_228, %dma_wait3A_235] : memref<10000x128xf32, #tpu.memory_space<vmem_shared>> -> memref<80x128xf32, #tpu.memory_space<vmem_shared>>
          tpu.wait_dma2 semaphore(%run_scoped3A : memref<!tpu.dma_semaphore, #tpu.memory_space<semaphore_mem>>) src(%arg12 : memref<80x128xf32, #tpu.memory_space<vmem>>) dst(%dma_wait3A_236 : memref<80x128xf32, #tpu.memory_space<vmem_shared>>)
          tpu.yield
        }) : () -> ()
      } else {
      }
    }
    %scan3A_61 = arith.constant 8 : i32
    %eq3A = arith.constant 0 : i32
    %eq3A_62 = arith.cmpi eq, %arg1, %eq3A : i32
    %convert_element_type3A = arith.extui %eq3A_62 : i1 to i32
    %cond3A = arith.constant 0 : i32
    %cond3A_63 = arith.cmpi ne, %convert_element_type3A, %cond3A : i32
    scf.if %cond3A_63 {
      "tpu.region"() ({
        %run_scoped3A = tpu.sem_alloc : memref<!tpu.dma_semaphore, #tpu.memory_space<semaphore_mem>>
        tpu.enqueue_dma source(%arg12 : memref<80x128xf32, #tpu.memory_space<vmem>>) target(%arg15 : memref<80x128xf32, #tpu.memory_space<vmem_shared>>) target_semaphore(%run_scoped3A : memref<!tpu.dma_semaphore, #tpu.memory_space<semaphore_mem>>)
        tpu.wait_dma2 semaphore(%run_scoped3A : memref<!tpu.dma_semaphore, #tpu.memory_space<semaphore_mem>>) src(%arg12 : memref<80x128xf32, #tpu.memory_space<vmem>>) dst(%arg15 : memref<80x128xf32, #tpu.memory_space<vmem_shared>>)
        tpu.yield
      }) : () -> ()
    } else {
    }
    %barrier3A = arith.constant 0 : index
    tpu.barrier barrier_id(%barrier3A)
    %dma_wait3A = arith.constant 0 : i32
    %dma_wait3A_64 = tpu.memref_slice %arg3[%dma_wait3A] : memref<640000xi32, #tpu.memory_space<hbm>> -> memref<80xi32, #tpu.memory_space<hbm>>
    %dma_wait3A_65 = arith.constant 0 : i32
    %dma_wait3A_66 = tpu.memref_slice %arg3[%dma_wait3A_65] : memref<640000xi32, #tpu.memory_space<hbm>> -> memref<80xi32, #tpu.memory_space<hbm>>
    tpu.wait_dma2 semaphore(%arg16 : memref<!tpu.dma_semaphore, #tpu.memory_space<semaphore_mem>>) src(%dma_wait3A_66 : memref<80xi32, #tpu.memory_space<hbm>>) dst(%arg9 : memref<80xi32, #tpu.memory_space<vmem>>)
    %dma_wait3A_67 = arith.constant 0 : i32
    %dma_wait3A_68 = arith.constant 0 : i32
    %dma_wait3A_69 = tpu.memref_slice %arg2[%dma_wait3A_67, %dma_wait3A_68] : memref<320000x128xf32, #tpu.memory_space<hbm>> -> memref<80x128xf32, #tpu.memory_space<hbm>>
    %dma_wait3A_70 = arith.constant 0 : i32
    %dma_wait3A_71 = arith.constant 0 : i32
    %dma_wait3A_72 = tpu.memref_slice %arg2[%dma_wait3A_70, %dma_wait3A_71] : memref<320000x128xf32, #tpu.memory_space<hbm>> -> memref<80x128xf32, #tpu.memory_space<hbm>>
    tpu.wait_dma2 semaphore(%arg16 : memref<!tpu.dma_semaphore, #tpu.memory_space<semaphore_mem>>) src(%dma_wait3A_72 : memref<80x128xf32, #tpu.memory_space<hbm>>) dst(%arg6 : memref<80x128xf32, #tpu.memory_space<vmem>>)
    %dma_start3A_73 = arith.constant 0 : i32
    %dma_start3A_74 = arith.constant 0 : i32
    %dma_start3A_75 = tpu.memref_slice %arg14[%dma_start3A_73, %dma_start3A_74] : memref<10000x128xf32, #tpu.memory_space<vmem_shared>> -> memref<10000x128xf32, #tpu.memory_space<vmem_shared>>
    tpu.enqueue_indirect_dma source(%arg6 : memref<80x128xf32, #tpu.memory_space<vmem>>) target(%dma_start3A_75 : memref<10000x128xf32, #tpu.memory_space<vmem_shared>>) offsets(%arg9 : memref<80xi32, #tpu.memory_space<vmem>>) semaphore(%arg19 : memref<!tpu.dma_semaphore, #tpu.memory_space<semaphore_mem>>) {add = true}
    %get3A = arith.constant 0 : index
    %get3A_76 = tpu.vector_load %arg9[%get3A] {strides = array<i32>} : memref<80xi32, #tpu.memory_space<vmem>>, vector<16xi32>,
    %shift_right_logical3A = arith.constant 7 : i32
    %shift_right_logical3A_77 = vector.broadcast %shift_right_logical3A : i32 to vector<16xi32>
    %shift_right_logical3A_78 = arith.shrui %get3A_76, %shift_right_logical3A_77 : vector<16xi32>
    %and3A = arith.constant 127 : i32
    %and3A_79 = vector.broadcast %and3A : i32 to vector<16xi32>
    %and3A_80 = arith.andi %get3A_76, %and3A_79 : vector<16xi32>
    tpu.vector_store_idx %arg12[%shift_right_logical3A_78, %and3A_80], %broadcast_in_dim3A_5 {add = true} : memref<80x128xf32, #tpu.memory_space<vmem>>[vector<16xi32>, vector<16xi32>], vector<16xf32>,
    %get3A_81 = arith.constant 16 : index
    %get3A_82 = tpu.vector_load %arg9[%get3A_81] {strides = array<i32>} : memref<80xi32, #tpu.memory_space<vmem>>, vector<16xi32>,
    %shift_right_logical3A_83 = arith.constant 7 : i32
    %shift_right_logical3A_84 = vector.broadcast %shift_right_logical3A_83 : i32 to vector<16xi32>
    %shift_right_logical3A_85 = arith.shrui %get3A_82, %shift_right_logical3A_84 : vector<16xi32>
    %and3A_86 = arith.constant 127 : i32
    %and3A_87 = vector.broadcast %and3A_86 : i32 to vector<16xi32>
    %and3A_88 = arith.andi %get3A_82, %and3A_87 : vector<16xi32>
    tpu.vector_store_idx %arg12[%shift_right_logical3A_85, %and3A_88], %broadcast_in_dim3A_5 {add = true} : memref<80x128xf32, #tpu.memory_space<vmem>>[vector<16xi32>, vector<16xi32>], vector<16xf32>,
    %get3A_89 = arith.constant 32 : index
    %get3A_90 = tpu.vector_load %arg9[%get3A_89] {strides = array<i32>} : memref<80xi32, #tpu.memory_space<vmem>>, vector<16xi32>,
    %shift_right_logical3A_91 = arith.constant 7 : i32
    %shift_right_logical3A_92 = vector.broadcast %shift_right_logical3A_91 : i32 to vector<16xi32>
    %shift_right_logical3A_93 = arith.shrui %get3A_90, %shift_right_logical3A_92 : vector<16xi32>
    %and3A_94 = arith.constant 127 : i32
    %and3A_95 = vector.broadcast %and3A_94 : i32 to vector<16xi32>
    %and3A_96 = arith.andi %get3A_90, %and3A_95 : vector<16xi32>
    tpu.vector_store_idx %arg12[%shift_right_logical3A_93, %and3A_96], %broadcast_in_dim3A_5 {add = true} : memref<80x128xf32, #tpu.memory_space<vmem>>[vector<16xi32>, vector<16xi32>], vector<16xf32>,
    %get3A_97 = arith.constant 48 : index
    %get3A_98 = tpu.vector_load %arg9[%get3A_97] {strides = array<i32>} : memref<80xi32, #tpu.memory_space<vmem>>, vector<16xi32>,
    %shift_right_logical3A_99 = arith.constant 7 : i32
    %shift_right_logical3A_100 = vector.broadcast %shift_right_logical3A_99 : i32 to vector<16xi32>
    %shift_right_logical3A_101 = arith.shrui %get3A_98, %shift_right_logical3A_100 : vector<16xi32>
    %and3A_102 = arith.constant 127 : i32
    %and3A_103 = vector.broadcast %and3A_102 : i32 to vector<16xi32>
    %and3A_104 = arith.andi %get3A_98, %and3A_103 : vector<16xi32>
    tpu.vector_store_idx %arg12[%shift_right_logical3A_101, %and3A_104], %broadcast_in_dim3A_5 {add = true} : memref<80x128xf32, #tpu.memory_space<vmem>>[vector<16xi32>, vector<16xi32>], vector<16xf32>,
    %get3A_105 = arith.constant 64 : index
    %get3A_106 = tpu.vector_load %arg9[%get3A_105] {strides = array<i32>} : memref<80xi32, #tpu.memory_space<vmem>>, vector<16xi32>,
    %shift_right_logical3A_107 = arith.constant 7 : i32
    %shift_right_logical3A_108 = vector.broadcast %shift_right_logical3A_107 : i32 to vector<16xi32>
    %shift_right_logical3A_109 = arith.shrui %get3A_106, %shift_right_logical3A_108 : vector<16xi32>
    %and3A_110 = arith.constant 127 : i32
    %and3A_111 = vector.broadcast %and3A_110 : i32 to vector<16xi32>
    %and3A_112 = arith.andi %get3A_106, %and3A_111 : vector<16xi32>
    tpu.vector_store_idx %arg12[%shift_right_logical3A_109, %and3A_112], %broadcast_in_dim3A_5 {add = true} : memref<80x128xf32, #tpu.memory_space<vmem>>[vector<16xi32>, vector<16xi32>], vector<16xf32>,
    %add3A_113 = arith.constant 320000 : i32
    %add3A_114 = arith.addi %add3A_113, %mul3A_2 : i32
    %add3A_115 = arith.constant 160 : i32
    %add3A_116 = arith.addi %add3A_114, %add3A_115 : i32
    %dma_start3A_117 = tpu.memref_slice %arg3[%add3A_116] : memref<640000xi32, #tpu.memory_space<hbm>> -> memref<80xi32, #tpu.memory_space<hbm>>
    %dma_start3A_118 = tpu.memref_slice %arg3[%add3A_116] : memref<640000xi32, #tpu.memory_space<hbm>> -> memref<80xi32, #tpu.memory_space<hbm>>
    tpu.enqueue_dma source(%dma_start3A_118 : memref<80xi32, #tpu.memory_space<hbm>>) target(%arg11 : memref<80xi32, #tpu.memory_space<vmem>>) target_semaphore(%arg18 : memref<!tpu.dma_semaphore, #tpu.memory_space<semaphore_mem>>)
    %add3A_119 = arith.constant 160 : i32
    %add3A_120 = arith.addi %mul3A_2, %add3A_119 : i32
    %dma_start3A_121 = arith.constant 0 : i32
    %dma_start3A_122 = tpu.memref_slice %arg2[%add3A_120, %dma_start3A_121] : memref<320000x128xf32, #tpu.memory_space<hbm>> -> memref<80x128xf32, #tpu.memory_space<hbm>>
    %dma_start3A_123 = arith.constant 0 : i32
    %dma_start3A_124 = tpu.memref_slice %arg2[%add3A_120, %dma_start3A_123] : memref<320000x128xf32, #tpu.memory_space<hbm>> -> memref<80x128xf32, #tpu.memory_space<hbm>>
    tpu.enqueue_dma source(%dma_start3A_124 : memref<80x128xf32, #tpu.memory_space<hbm>>) target(%arg8 : memref<80x128xf32, #tpu.memory_space<vmem>>) target_semaphore(%arg18 : memref<!tpu.dma_semaphore, #tpu.memory_space<semaphore_mem>>)
    %dma_wait3A_125 = arith.constant 0 : i32
    %dma_wait3A_126 = tpu.memref_slice %arg3[%dma_wait3A_125] : memref<640000xi32, #tpu.memory_space<hbm>> -> memref<80xi32, #tpu.memory_space<hbm>>
    %dma_wait3A_127 = arith.constant 0 : i32
    %dma_wait3A_128 = tpu.memref_slice %arg3[%dma_wait3A_127] : memref<640000xi32, #tpu.memory_space<hbm>> -> memref<80xi32, #tpu.memory_space<hbm>>
    tpu.wait_dma2 semaphore(%arg17 : memref<!tpu.dma_semaphore, #tpu.memory_space<semaphore_mem>>) src(%dma_wait3A_128 : memref<80xi32, #tpu.memory_space<hbm>>) dst(%arg10 : memref<80xi32, #tpu.memory_space<vmem>>)
    %dma_wait3A_129 = arith.constant 0 : i32
    %dma_wait3A_130 = arith.constant 0 : i32
    %dma_wait3A_131 = tpu.memref_slice %arg2[%dma_wait3A_129, %dma_wait3A_130] : memref<320000x128xf32, #tpu.memory_space<hbm>> -> memref<80x128xf32, #tpu.memory_space<hbm>>
    %dma_wait3A_132 = arith.constant 0 : i32
    %dma_wait3A_133 = arith.constant 0 : i32
    %dma_wait3A_134 = tpu.memref_slice %arg2[%dma_wait3A_132, %dma_wait3A_133] : memref<320000x128xf32, #tpu.memory_space<hbm>> -> memref<80x128xf32, #tpu.memory_space<hbm>>
    tpu.wait_dma2 semaphore(%arg17 : memref<!tpu.dma_semaphore, #tpu.memory_space<semaphore_mem>>) src(%dma_wait3A_134 : memref<80x128xf32, #tpu.memory_space<hbm>>) dst(%arg7 : memref<80x128xf32, #tpu.memory_space<vmem>>)
    %dma_start3A_135 = arith.constant 0 : i32
    %dma_start3A_136 = arith.constant 0 : i32
    %dma_start3A_137 = tpu.memref_slice %arg14[%dma_start3A_135, %dma_start3A_136] : memref<10000x128xf32, #tpu.memory_space<vmem_shared>> -> memref<10000x128xf32, #tpu.memory_space<vmem_shared>>
    tpu.enqueue_indirect_dma source(%arg7 : memref<80x128xf32, #tpu.memory_space<vmem>>) target(%dma_start3A_137 : memref<10000x128xf32, #tpu.memory_space<vmem_shared>>) offsets(%arg10 : memref<80xi32, #tpu.memory_space<vmem>>) semaphore(%arg20 : memref<!tpu.dma_semaphore, #tpu.memory_space<semaphore_mem>>) {add = true}
    %get3A_138 = arith.constant 0 : index
    %get3A_139 = tpu.vector_load %arg10[%get3A_138] {strides = array<i32>} : memref<80xi32, #tpu.memory_space<vmem>>, vector<16xi32>,
    %shift_right_logical3A_140 = arith.constant 7 : i32
    %shift_right_logical3A_141 = vector.broadcast %shift_right_logical3A_140 : i32 to vector<16xi32>
    %shift_right_logical3A_142 = arith.shrui %get3A_139, %shift_right_logical3A_141 : vector<16xi32>
    %and3A_143 = arith.constant 127 : i32
    %and3A_144 = vector.broadcast %and3A_143 : i32 to vector<16xi32>
    %and3A_145 = arith.andi %get3A_139, %and3A_144 : vector<16xi32>
    tpu.vector_store_idx %arg12[%shift_right_logical3A_142, %and3A_145], %broadcast_in_dim3A_5 {add = true} : memref<80x128xf32, #tpu.memory_space<vmem>>[vector<16xi32>, vector<16xi32>], vector<16xf32>,
    %get3A_146 = arith.constant 16 : index
    %get3A_147 = tpu.vector_load %arg10[%get3A_146] {strides = array<i32>} : memref<80xi32, #tpu.memory_space<vmem>>, vector<16xi32>,
    %shift_right_logical3A_148 = arith.constant 7 : i32
    %shift_right_logical3A_149 = vector.broadcast %shift_right_logical3A_148 : i32 to vector<16xi32>
    %shift_right_logical3A_150 = arith.shrui %get3A_147, %shift_right_logical3A_149 : vector<16xi32>
    %and3A_151 = arith.constant 127 : i32
    %and3A_152 = vector.broadcast %and3A_151 : i32 to vector<16xi32>
    %and3A_153 = arith.andi %get3A_147, %and3A_152 : vector<16xi32>
    tpu.vector_store_idx %arg12[%shift_right_logical3A_150, %and3A_153], %broadcast_in_dim3A_5 {add = true} : memref<80x128xf32, #tpu.memory_space<vmem>>[vector<16xi32>, vector<16xi32>], vector<16xf32>,
    %get3A_154 = arith.constant 32 : index
    %get3A_155 = tpu.vector_load %arg10[%get3A_154] {strides = array<i32>} : memref<80xi32, #tpu.memory_space<vmem>>, vector<16xi32>,
    %shift_right_logical3A_156 = arith.constant 7 : i32
    %shift_right_logical3A_157 = vector.broadcast %shift_right_logical3A_156 : i32 to vector<16xi32>
    %shift_right_logical3A_158 = arith.shrui %get3A_155, %shift_right_logical3A_157 : vector<16xi32>
    %and3A_159 = arith.constant 127 : i32
    %and3A_160 = vector.broadcast %and3A_159 : i32 to vector<16xi32>
    %and3A_161 = arith.andi %get3A_155, %and3A_160 : vector<16xi32>
    tpu.vector_store_idx %arg12[%shift_right_logical3A_158, %and3A_161], %broadcast_in_dim3A_5 {add = true} : memref<80x128xf32, #tpu.memory_space<vmem>>[vector<16xi32>, vector<16xi32>], vector<16xf32>,
    %get3A_162 = arith.constant 48 : index
    %get3A_163 = tpu.vector_load %arg10[%get3A_162] {strides = array<i32>} : memref<80xi32, #tpu.memory_space<vmem>>, vector<16xi32>,
    %shift_right_logical3A_164 = arith.constant 7 : i32
    %shift_right_logical3A_165 = vector.broadcast %shift_right_logical3A_164 : i32 to vector<16xi32>
    %shift_right_logical3A_166 = arith.shrui %get3A_163, %shift_right_logical3A_165 : vector<16xi32>
    %and3A_167 = arith.constant 127 : i32
    %and3A_168 = vector.broadcast %and3A_167 : i32 to vector<16xi32>
    %and3A_169 = arith.andi %get3A_163, %and3A_168 : vector<16xi32>
    tpu.vector_store_idx %arg12[%shift_right_logical3A_166, %and3A_169], %broadcast_in_dim3A_5 {add = true} : memref<80x128xf32, #tpu.memory_space<vmem>>[vector<16xi32>, vector<16xi32>], vector<16xf32>,
    %get3A_170 = arith.constant 64 : index
    %get3A_171 = tpu.vector_load %arg10[%get3A_170] {strides = array<i32>} : memref<80xi32, #tpu.memory_space<vmem>>, vector<16xi32>,
    %shift_right_logical3A_172 = arith.constant 7 : i32
    %shift_right_logical3A_173 = vector.broadcast %shift_right_logical3A_172 : i32 to vector<16xi32>
    %shift_right_logical3A_174 = arith.shrui %get3A_171, %shift_right_logical3A_173 : vector<16xi32>
    %and3A_175 = arith.constant 127 : i32
    %and3A_176 = vector.broadcast %and3A_175 : i32 to vector<16xi32>
    %and3A_177 = arith.andi %get3A_171, %and3A_176 : vector<16xi32>
    tpu.vector_store_idx %arg12[%shift_right_logical3A_174, %and3A_177], %broadcast_in_dim3A_5 {add = true} : memref<80x128xf32, #tpu.memory_space<vmem>>[vector<16xi32>, vector<16xi32>], vector<16xf32>,
    %dma_wait3A_178 = arith.constant 0 : i32
    %dma_wait3A_179 = arith.constant 0 : i32
    %dma_wait3A_180 = tpu.memref_slice %arg2[%dma_wait3A_178, %dma_wait3A_179] : memref<320000x128xf32, #tpu.memory_space<hbm>> -> memref<80x128xf32, #tpu.memory_space<hbm>>
    %dma_wait3A_181 = arith.constant 0 : i32
    %dma_wait3A_182 = arith.constant 0 : i32
    %dma_wait3A_183 = tpu.memref_slice %arg2[%dma_wait3A_181, %dma_wait3A_182] : memref<320000x128xf32, #tpu.memory_space<hbm>> -> memref<80x128xf32, #tpu.memory_space<hbm>>
    tpu.wait_dma2 semaphore(%arg19 : memref<!tpu.dma_semaphore, #tpu.memory_space<semaphore_mem>>) src(%dma_wait3A_183 : memref<80x128xf32, #tpu.memory_space<hbm>>) dst(%arg6 : memref<80x128xf32, #tpu.memory_space<vmem>>)
    %add3A_184 = arith.constant 320000 : i32
    %add3A_185 = arith.addi %add3A_184, %mul3A_2 : i32
    %add3A_186 = arith.constant 240 : i32
    %add3A_187 = arith.addi %add3A_185, %add3A_186 : i32
    %dma_start3A_188 = tpu.memref_slice %arg3[%add3A_187] : memref<640000xi32, #tpu.memory_space<hbm>> -> memref<80xi32, #tpu.memory_space<hbm>>
    %dma_start3A_189 = tpu.memref_slice %arg3[%add3A_187] : memref<640000xi32, #tpu.memory_space<hbm>> -> memref<80xi32, #tpu.memory_space<hbm>>
    tpu.enqueue_dma source(%dma_start3A_189 : memref<80xi32, #tpu.memory_space<hbm>>) target(%arg9 : memref<80xi32, #tpu.memory_space<vmem>>) target_semaphore(%arg16 : memref<!tpu.dma_semaphore, #tpu.memory_space<semaphore_mem>>)
    %add3A_190 = arith.constant 240 : i32
    %add3A_191 = arith.addi %mul3A_2, %add3A_190 : i32
    %dma_start3A_192 = arith.constant 0 : i32
    %dma_start3A_193 = tpu.memref_slice %arg2[%add3A_191, %dma_start3A_192] : memref<320000x128xf32, #tpu.memory_space<hbm>> -> memref<80x128xf32, #tpu.memory_space<hbm>>
    %dma_start3A_194 = arith.constant 0 : i32
    %dma_start3A_195 = tpu.memref_slice %arg2[%add3A_191, %dma_start3A_194] : memref<320000x128xf32, #tpu.memory_space<hbm>> -> memref<80x128xf32, #tpu.memory_space<hbm>>
    tpu.enqueue_dma source(%dma_start3A_195 : memref<80x128xf32, #tpu.memory_space<hbm>>) target(%arg6 : memref<80x128xf32, #tpu.memory_space<vmem>>) target_semaphore(%arg16 : memref<!tpu.dma_semaphore, #tpu.memory_space<semaphore_mem>>)
    %scan3A_196 = arith.constant 0 : i32
    %scan3A_197 = arith.constant 41 : i32
    %scan3A_198 = arith.addi %scan3A_196, %scan3A_197 : i32
    %scan3A_199 = arith.constant 1 : i32
    scf.for %scan3A_219 = %scan3A_196 to %scan3A_198 step %scan3A_199  : i32 {
      %mul3A_220 = arith.constant 3 : i32
      %mul3A_221 = arith.muli %scan3A_219, %mul3A_220 : i32
      %add3A_222 = arith.constant 2 : i32
      %add3A_223 = arith.addi %mul3A_221, %add3A_222 : i32
      %dma_wait3A_224 = arith.constant 0 : i32
      %dma_wait3A_225 = tpu.memref_slice %arg3[%dma_wait3A_224] : memref<640000xi32, #tpu.memory_space<hbm>> -> memref<80xi32, #tpu.memory_space<hbm>>
      %dma_wait3A_226 = arith.constant 0 : i32
      %dma_wait3A_227 = tpu.memref_slice %arg3[%dma_wait3A_226] : memref<640000xi32, #tpu.memory_space<hbm>> -> memref<80xi32, #tpu.memory_space<hbm>>
      tpu.wait_dma2 semaphore(%arg18 : memref<!tpu.dma_semaphore, #tpu.memory_space<semaphore_mem>>) src(%dma_wait3A_227 : memref<80xi32, #tpu.memory_space<hbm>>) dst(%arg11 : memref<80xi32, #tpu.memory_space<vmem>>)
      %dma_wait3A_228 = arith.constant 0 : i32
      %dma_wait3A_229 = arith.constant 0 : i32
      %dma_wait3A_230 = tpu.memref_slice %arg2[%dma_wait3A_228, %dma_wait3A_229] : memref<320000x128xf32, #tpu.memory_space<hbm>> -> memref<80x128xf32, #tpu.memory_space<hbm>>
      %dma_wait3A_231 = arith.constant 0 : i32
      %dma_wait3A_232 = arith.constant 0 : i32
      %dma_wait3A_233 = tpu.memref_slice %arg2[%dma_wait3A_231, %dma_wait3A_232] : memref<320000x128xf32, #tpu.memory_space<hbm>> -> memref<80x128xf32, #tpu.memory_space<hbm>>
      tpu.wait_dma2 semaphore(%arg18 : memref<!tpu.dma_semaphore, #tpu.memory_space<semaphore_mem>>) src(%dma_wait3A_233 : memref<80x128xf32, #tpu.memory_space<hbm>>) dst(%arg8 : memref<80x128xf32, #tpu.memory_space<vmem>>)
      %dma_start3A_234 = arith.constant 0 : i32
      %dma_start3A_235 = arith.constant 0 : i32
      %dma_start3A_236 = tpu.memref_slice %arg14[%dma_start3A_234, %dma_start3A_235] : memref<10000x128xf32, #tpu.memory_space<vmem_shared>> -> memref<10000x128xf32, #tpu.memory_space<vmem_shared>>
      tpu.enqueue_indirect_dma source(%arg8 : memref<80x128xf32, #tpu.memory_space<vmem>>) target(%dma_start3A_236 : memref<10000x128xf32, #tpu.memory_space<vmem_shared>>) offsets(%arg11 : memref<80xi32, #tpu.memory_space<vmem>>) semaphore(%arg21 : memref<!tpu.dma_semaphore, #tpu.memory_space<semaphore_mem>>) {add = true}
      %get3A_237 = arith.constant 0 : index
      %get3A_238 = tpu.vector_load %arg11[%get3A_237] {strides = array<i32>} : memref<80xi32, #tpu.memory_space<vmem>>, vector<16xi32>,
      %shift_right_logical3A_239 = arith.constant 7 : i32
      %shift_right_logical3A_240 = vector.broadcast %shift_right_logical3A_239 : i32 to vector<16xi32>
      %shift_right_logical3A_241 = arith.shrui %get3A_238, %shift_right_logical3A_240 : vector<16xi32>
      %and3A_242 = arith.constant 127 : i32
      %and3A_243 = vector.broadcast %and3A_242 : i32 to vector<16xi32>
      %and3A_244 = arith.andi %get3A_238, %and3A_243 : vector<16xi32>
      tpu.vector_store_idx %arg12[%shift_right_logical3A_241, %and3A_244], %broadcast_in_dim3A_5 {add = true} : memref<80x128xf32, #tpu.memory_space<vmem>>[vector<16xi32>, vector<16xi32>], vector<16xf32>,
      %get3A_245 = arith.constant 16 : index
      %get3A_246 = tpu.vector_load %arg11[%get3A_245] {strides = array<i32>} : memref<80xi32, #tpu.memory_space<vmem>>, vector<16xi32>,
      %shift_right_logical3A_247 = arith.constant 7 : i32
      %shift_right_logical3A_248 = vector.broadcast %shift_right_logical3A_247 : i32 to vector<16xi32>
      %shift_right_logical3A_249 = arith.shrui %get3A_246, %shift_right_logical3A_248 : vector<16xi32>
      %and3A_250 = arith.constant 127 : i32
      %and3A_251 = vector.broadcast %and3A_250 : i32 to vector<16xi32>
      %and3A_252 = arith.andi %get3A_246, %and3A_251 : vector<16xi32>
      tpu.vector_store_idx %arg12[%shift_right_logical3A_249, %and3A_252], %broadcast_in_dim3A_5 {add = true} : memref<80x128xf32, #tpu.memory_space<vmem>>[vector<16xi32>, vector<16xi32>], vector<16xf32>,
      %get3A_253 = arith.constant 32 : index
      %get3A_254 = tpu.vector_load %arg11[%get3A_253] {strides = array<i32>} : memref<80xi32, #tpu.memory_space<vmem>>, vector<16xi32>,
      %shift_right_logical3A_255 = arith.constant 7 : i32
      %shift_right_logical3A_256 = vector.broadcast %shift_right_logical3A_255 : i32 to vector<16xi32>
      %shift_right_logical3A_257 = arith.shrui %get3A_254, %shift_right_logical3A_256 : vector<16xi32>
      %and3A_258 = arith.constant 127 : i32
      %and3A_259 = vector.broadcast %and3A_258 : i32 to vector<16xi32>
      %and3A_260 = arith.andi %get3A_254, %and3A_259 : vector<16xi32>
      tpu.vector_store_idx %arg12[%shift_right_logical3A_257, %and3A_260], %broadcast_in_dim3A_5 {add = true} : memref<80x128xf32, #tpu.memory_space<vmem>>[vector<16xi32>, vector<16xi32>], vector<16xf32>,
      %get3A_261 = arith.constant 48 : index
      %get3A_262 = tpu.vector_load %arg11[%get3A_261] {strides = array<i32>} : memref<80xi32, #tpu.memory_space<vmem>>, vector<16xi32>,
      %shift_right_logical3A_263 = arith.constant 7 : i32
      %shift_right_logical3A_264 = vector.broadcast %shift_right_logical3A_263 : i32 to vector<16xi32>
      %shift_right_logical3A_265 = arith.shrui %get3A_262, %shift_right_logical3A_264 : vector<16xi32>
      %and3A_266 = arith.constant 127 : i32
      %and3A_267 = vector.broadcast %and3A_266 : i32 to vector<16xi32>
      %and3A_268 = arith.andi %get3A_262, %and3A_267 : vector<16xi32>
      tpu.vector_store_idx %arg12[%shift_right_logical3A_265, %and3A_268], %broadcast_in_dim3A_5 {add = true} : memref<80x128xf32, #tpu.memory_space<vmem>>[vector<16xi32>, vector<16xi32>], vector<16xf32>,
      %get3A_269 = arith.constant 64 : index
      %get3A_270 = tpu.vector_load %arg11[%get3A_269] {strides = array<i32>} : memref<80xi32, #tpu.memory_space<vmem>>, vector<16xi32>,
      %shift_right_logical3A_271 = arith.constant 7 : i32
      %shift_right_logical3A_272 = vector.broadcast %shift_right_logical3A_271 : i32 to vector<16xi32>
      %shift_right_logical3A_273 = arith.shrui %get3A_270, %shift_right_logical3A_272 : vector<16xi32>
      %and3A_274 = arith.constant 127 : i32
      %and3A_275 = vector.broadcast %and3A_274 : i32 to vector<16xi32>
      %and3A_276 = arith.andi %get3A_270, %and3A_275 : vector<16xi32>
      tpu.vector_store_idx %arg12[%shift_right_logical3A_273, %and3A_276], %broadcast_in_dim3A_5 {add = true} : memref<80x128xf32, #tpu.memory_space<vmem>>[vector<16xi32>, vector<16xi32>], vector<16xf32>,
      %dma_wait3A_277 = arith.constant 0 : i32
      %dma_wait3A_278 = arith.constant 0 : i32
      %dma_wait3A_279 = tpu.memref_slice %arg2[%dma_wait3A_277, %dma_wait3A_278] : memref<320000x128xf32, #tpu.memory_space<hbm>> -> memref<80x128xf32, #tpu.memory_space<hbm>>
      %dma_wait3A_280 = arith.constant 0 : i32
      %dma_wait3A_281 = arith.constant 0 : i32
      %dma_wait3A_282 = tpu.memref_slice %arg2[%dma_wait3A_280, %dma_wait3A_281] : memref<320000x128xf32, #tpu.memory_space<hbm>> -> memref<80x128xf32, #tpu.memory_space<hbm>>
      tpu.wait_dma2 semaphore(%arg20 : memref<!tpu.dma_semaphore, #tpu.memory_space<semaphore_mem>>) src(%dma_wait3A_282 : memref<80x128xf32, #tpu.memory_space<hbm>>) dst(%arg7 : memref<80x128xf32, #tpu.memory_space<vmem>>)
      %add3A_283 = arith.constant 2 : i32
      %add3A_284 = arith.addi %add3A_223, %add3A_283 : i32
      %lt3A = arith.constant 125 : i32
      %lt3A_285 = arith.cmpi slt, %add3A_284, %lt3A : i32
      %convert_element_type3A_286 = arith.extui %lt3A_285 : i1 to i32
      %cond3A_287 = arith.constant 0 : i32
      %cond3A_288 = arith.cmpi ne, %convert_element_type3A_286, %cond3A_287 : i32
      scf.if %cond3A_288 {
        %add3A_425 = arith.constant 2 : i32
        %add3A_426 = arith.addi %add3A_223, %add3A_425 : i32
        %add3A_427 = arith.constant 320000 : i32
        %add3A_428 = arith.addi %add3A_427, %mul3A_2 : i32
        %mul3A_429 = arith.constant 80 : i32
        %mul3A_430 = arith.muli %add3A_426, %mul3A_429 : i32
        %add3A_431 = arith.addi %add3A_428, %mul3A_430 : i32
        %dma_start3A_432 = tpu.memref_slice %arg3[%add3A_431] : memref<640000xi32, #tpu.memory_space<hbm>> -> memref<80xi32, #tpu.memory_space<hbm>>
        %dma_start3A_433 = tpu.memref_slice %arg3[%add3A_431] : memref<640000xi32, #tpu.memory_space<hbm>> -> memref<80xi32, #tpu.memory_space<hbm>>
        tpu.enqueue_dma source(%dma_start3A_433 : memref<80xi32, #tpu.memory_space<hbm>>) target(%arg10 : memref<80xi32, #tpu.memory_space<vmem>>) target_semaphore(%arg17 : memref<!tpu.dma_semaphore, #tpu.memory_space<semaphore_mem>>)
        %mul3A_434 = arith.constant 80 : i32
        %mul3A_435 = arith.muli %add3A_426, %mul3A_434 : i32
        %add3A_436 = arith.addi %mul3A_2, %mul3A_435 : i32
        %dma_start3A_437 = arith.constant 0 : i32
        %dma_start3A_438 = tpu.memref_slice %arg2[%add3A_436, %dma_start3A_437] : memref<320000x128xf32, #tpu.memory_space<hbm>> -> memref<80x128xf32, #tpu.memory_space<hbm>>
        %dma_start3A_439 = arith.constant 0 : i32
        %dma_start3A_440 = tpu.memref_slice %arg2[%add3A_436, %dma_start3A_439] : memref<320000x128xf32, #tpu.memory_space<hbm>> -> memref<80x128xf32, #tpu.memory_space<hbm>>
        tpu.enqueue_dma source(%dma_start3A_440 : memref<80x128xf32, #tpu.memory_space<hbm>>) target(%arg7 : memref<80x128xf32, #tpu.memory_space<vmem>>) target_semaphore(%arg17 : memref<!tpu.dma_semaphore, #tpu.memory_space<semaphore_mem>>)
      } else {
      }
      %add3A_289 = arith.constant 1 : i32
      %add3A_290 = arith.addi %add3A_223, %add3A_289 : i32
      %dma_wait3A_291 = arith.constant 0 : i32
      %dma_wait3A_292 = tpu.memref_slice %arg3[%dma_wait3A_291] : memref<640000xi32, #tpu.memory_space<hbm>> -> memref<80xi32, #tpu.memory_space<hbm>>
      %dma_wait3A_293 = arith.constant 0 : i32
      %dma_wait3A_294 = tpu.memref_slice %arg3[%dma_wait3A_293] : memref<640000xi32, #tpu.memory_space<hbm>> -> memref<80xi32, #tpu.memory_space<hbm>>
      tpu.wait_dma2 semaphore(%arg16 : memref<!tpu.dma_semaphore, #tpu.memory_space<semaphore_mem>>) src(%dma_wait3A_294 : memref<80xi32, #tpu.memory_space<hbm>>) dst(%arg9 : memref<80xi32, #tpu.memory_space<vmem>>)
      %dma_wait3A_295 = arith.constant 0 : i32
      %dma_wait3A_296 = arith.constant 0 : i32
      %dma_wait3A_297 = tpu.memref_slice %arg2[%dma_wait3A_295, %dma_wait3A_296] : memref<320000x128xf32, #tpu.memory_space<hbm>> -> memref<80x128xf32, #tpu.memory_space<hbm>>
      %dma_wait3A_298 = arith.constant 0 : i32
      %dma_wait3A_299 = arith.constant 0 : i32
      %dma_wait3A_300 = tpu.memref_slice %arg2[%dma_wait3A_298, %dma_wait3A_299] : memref<320000x128xf32, #tpu.memory_space<hbm>> -> memref<80x128xf32, #tpu.memory_space<hbm>>
      tpu.wait_dma2 semaphore(%arg16 : memref<!tpu.dma_semaphore, #tpu.memory_space<semaphore_mem>>) src(%dma_wait3A_300 : memref<80x128xf32, #tpu.memory_space<hbm>>) dst(%arg6 : memref<80x128xf32, #tpu.memory_space<vmem>>)
      %dma_start3A_301 = arith.constant 0 : i32
      %dma_start3A_302 = arith.constant 0 : i32
      %dma_start3A_303 = tpu.memref_slice %arg14[%dma_start3A_301, %dma_start3A_302] : memref<10000x128xf32, #tpu.memory_space<vmem_shared>> -> memref<10000x128xf32, #tpu.memory_space<vmem_shared>>
      tpu.enqueue_indirect_dma source(%arg6 : memref<80x128xf32, #tpu.memory_space<vmem>>) target(%dma_start3A_303 : memref<10000x128xf32, #tpu.memory_space<vmem_shared>>) offsets(%arg9 : memref<80xi32, #tpu.memory_space<vmem>>) semaphore(%arg19 : memref<!tpu.dma_semaphore, #tpu.memory_space<semaphore_mem>>) {add = true}
      %get3A_304 = arith.constant 0 : index
      %get3A_305 = tpu.vector_load %arg9[%get3A_304] {strides = array<i32>} : memref<80xi32, #tpu.memory_space<vmem>>, vector<16xi32>,
      %shift_right_logical3A_306 = arith.constant 7 : i32
      %shift_right_logical3A_307 = vector.broadcast %shift_right_logical3A_306 : i32 to vector<16xi32>
      %shift_right_logical3A_308 = arith.shrui %get3A_305, %shift_right_logical3A_307 : vector<16xi32>
      %and3A_309 = arith.constant 127 : i32
      %and3A_310 = vector.broadcast %and3A_309 : i32 to vector<16xi32>
      %and3A_311 = arith.andi %get3A_305, %and3A_310 : vector<16xi32>
      tpu.vector_store_idx %arg12[%shift_right_logical3A_308, %and3A_311], %broadcast_in_dim3A_5 {add = true} : memref<80x128xf32, #tpu.memory_space<vmem>>[vector<16xi32>, vector<16xi32>], vector<16xf32>,
      %get3A_312 = arith.constant 16 : index
      %get3A_313 = tpu.vector_load %arg9[%get3A_312] {strides = array<i32>} : memref<80xi32, #tpu.memory_space<vmem>>, vector<16xi32>,
      %shift_right_logical3A_314 = arith.constant 7 : i32
      %shift_right_logical3A_315 = vector.broadcast %shift_right_logical3A_314 : i32 to vector<16xi32>
      %shift_right_logical3A_316 = arith.shrui %get3A_313, %shift_right_logical3A_315 : vector<16xi32>
      %and3A_317 = arith.constant 127 : i32
      %and3A_318 = vector.broadcast %and3A_317 : i32 to vector<16xi32>
      %and3A_319 = arith.andi %get3A_313, %and3A_318 : vector<16xi32>
      tpu.vector_store_idx %arg12[%shift_right_logical3A_316, %and3A_319], %broadcast_in_dim3A_5 {add = true} : memref<80x128xf32, #tpu.memory_space<vmem>>[vector<16xi32>, vector<16xi32>], vector<16xf32>,
      %get3A_320 = arith.constant 32 : index
      %get3A_321 = tpu.vector_load %arg9[%get3A_320] {strides = array<i32>} : memref<80xi32, #tpu.memory_space<vmem>>, vector<16xi32>,
      %shift_right_logical3A_322 = arith.constant 7 : i32
      %shift_right_logical3A_323 = vector.broadcast %shift_right_logical3A_322 : i32 to vector<16xi32>
      %shift_right_logical3A_324 = arith.shrui %get3A_321, %shift_right_logical3A_323 : vector<16xi32>
      %and3A_325 = arith.constant 127 : i32
      %and3A_326 = vector.broadcast %and3A_325 : i32 to vector<16xi32>
      %and3A_327 = arith.andi %get3A_321, %and3A_326 : vector<16xi32>
      tpu.vector_store_idx %arg12[%shift_right_logical3A_324, %and3A_327], %broadcast_in_dim3A_5 {add = true} : memref<80x128xf32, #tpu.memory_space<vmem>>[vector<16xi32>, vector<16xi32>], vector<16xf32>,
      %get3A_328 = arith.constant 48 : index
      %get3A_329 = tpu.vector_load %arg9[%get3A_328] {strides = array<i32>} : memref<80xi32, #tpu.memory_space<vmem>>, vector<16xi32>,
      %shift_right_logical3A_330 = arith.constant 7 : i32
      %shift_right_logical3A_331 = vector.broadcast %shift_right_logical3A_330 : i32 to vector<16xi32>
      %shift_right_logical3A_332 = arith.shrui %get3A_329, %shift_right_logical3A_331 : vector<16xi32>
      %and3A_333 = arith.constant 127 : i32
      %and3A_334 = vector.broadcast %and3A_333 : i32 to vector<16xi32>
      %and3A_335 = arith.andi %get3A_329, %and3A_334 : vector<16xi32>
      tpu.vector_store_idx %arg12[%shift_right_logical3A_332, %and3A_335], %broadcast_in_dim3A_5 {add = true} : memref<80x128xf32, #tpu.memory_space<vmem>>[vector<16xi32>, vector<16xi32>], vector<16xf32>,
      %get3A_336 = arith.constant 64 : index
      %get3A_337 = tpu.vector_load %arg9[%get3A_336] {strides = array<i32>} : memref<80xi32, #tpu.memory_space<vmem>>, vector<16xi32>,
      %shift_right_logical3A_338 = arith.constant 7 : i32
      %shift_right_logical3A_339 = vector.broadcast %shift_right_logical3A_338 : i32 to vector<16xi32>
      %shift_right_logical3A_340 = arith.shrui %get3A_337, %shift_right_logical3A_339 : vector<16xi32>
      %and3A_341 = arith.constant 127 : i32
      %and3A_342 = vector.broadcast %and3A_341 : i32 to vector<16xi32>
      %and3A_343 = arith.andi %get3A_337, %and3A_342 : vector<16xi32>
      tpu.vector_store_idx %arg12[%shift_right_logical3A_340, %and3A_343], %broadcast_in_dim3A_5 {add = true} : memref<80x128xf32, #tpu.memory_space<vmem>>[vector<16xi32>, vector<16xi32>], vector<16xf32>,
      %dma_wait3A_344 = arith.constant 0 : i32
      %dma_wait3A_345 = arith.constant 0 : i32
      %dma_wait3A_346 = tpu.memref_slice %arg2[%dma_wait3A_344, %dma_wait3A_345] : memref<320000x128xf32, #tpu.memory_space<hbm>> -> memref<80x128xf32, #tpu.memory_space<hbm>>
      %dma_wait3A_347 = arith.constant 0 : i32
      %dma_wait3A_348 = arith.constant 0 : i32
      %dma_wait3A_349 = tpu.memref_slice %arg2[%dma_wait3A_347, %dma_wait3A_348] : memref<320000x128xf32, #tpu.memory_space<hbm>> -> memref<80x128xf32, #tpu.memory_space<hbm>>
      tpu.wait_dma2 semaphore(%arg21 : memref<!tpu.dma_semaphore, #tpu.memory_space<semaphore_mem>>) src(%dma_wait3A_349 : memref<80x128xf32, #tpu.memory_space<hbm>>) dst(%arg8 : memref<80x128xf32, #tpu.memory_space<vmem>>)
      %add3A_350 = arith.constant 2 : i32
      %add3A_351 = arith.addi %add3A_290, %add3A_350 : i32
      %lt3A_352 = arith.constant 125 : i32
      %lt3A_353 = arith.cmpi slt, %add3A_351, %lt3A_352 : i32
      %convert_element_type3A_354 = arith.extui %lt3A_353 : i1 to i32
      %cond3A_355 = arith.constant 0 : i32
      %cond3A_356 = arith.cmpi ne, %convert_element_type3A_354, %cond3A_355 : i32
      scf.if %cond3A_356 {
        %add3A_425 = arith.constant 2 : i32
        %add3A_426 = arith.addi %add3A_290, %add3A_425 : i32
        %add3A_427 = arith.constant 320000 : i32
        %add3A_428 = arith.addi %add3A_427, %mul3A_2 : i32
        %mul3A_429 = arith.constant 80 : i32
        %mul3A_430 = arith.muli %add3A_426, %mul3A_429 : i32
        %add3A_431 = arith.addi %add3A_428, %mul3A_430 : i32
        %dma_start3A_432 = tpu.memref_slice %arg3[%add3A_431] : memref<640000xi32, #tpu.memory_space<hbm>> -> memref<80xi32, #tpu.memory_space<hbm>>
        %dma_start3A_433 = tpu.memref_slice %arg3[%add3A_431] : memref<640000xi32, #tpu.memory_space<hbm>> -> memref<80xi32, #tpu.memory_space<hbm>>
        tpu.enqueue_dma source(%dma_start3A_433 : memref<80xi32, #tpu.memory_space<hbm>>) target(%arg11 : memref<80xi32, #tpu.memory_space<vmem>>) target_semaphore(%arg18 : memref<!tpu.dma_semaphore, #tpu.memory_space<semaphore_mem>>)
        %mul3A_434 = arith.constant 80 : i32
        %mul3A_435 = arith.muli %add3A_426, %mul3A_434 : i32
        %add3A_436 = arith.addi %mul3A_2, %mul3A_435 : i32
        %dma_start3A_437 = arith.constant 0 : i32
        %dma_start3A_438 = tpu.memref_slice %arg2[%add3A_436, %dma_start3A_437] : memref<320000x128xf32, #tpu.memory_space<hbm>> -> memref<80x128xf32, #tpu.memory_space<hbm>>
        %dma_start3A_439 = arith.constant 0 : i32
        %dma_start3A_440 = tpu.memref_slice %arg2[%add3A_436, %dma_start3A_439] : memref<320000x128xf32, #tpu.memory_space<hbm>> -> memref<80x128xf32, #tpu.memory_space<hbm>>
        tpu.enqueue_dma source(%dma_start3A_440 : memref<80x128xf32, #tpu.memory_space<hbm>>) target(%arg8 : memref<80x128xf32, #tpu.memory_space<vmem>>) target_semaphore(%arg18 : memref<!tpu.dma_semaphore, #tpu.memory_space<semaphore_mem>>)
      } else {
      }
      %add3A_357 = arith.constant 2 : i32
      %add3A_358 = arith.addi %add3A_223, %add3A_357 : i32
      %dma_wait3A_359 = arith.constant 0 : i32
      %dma_wait3A_360 = tpu.memref_slice %arg3[%dma_wait3A_359] : memref<640000xi32, #tpu.memory_space<hbm>> -> memref<80xi32, #tpu.memory_space<hbm>>
      %dma_wait3A_361 = arith.constant 0 : i32
      %dma_wait3A_362 = tpu.memref_slice %arg3[%dma_wait3A_361] : memref<640000xi32, #tpu.memory_space<hbm>> -> memref<80xi32, #tpu.memory_space<hbm>>
      tpu.wait_dma2 semaphore(%arg17 : memref<!tpu.dma_semaphore, #tpu.memory_space<semaphore_mem>>) src(%dma_wait3A_362 : memref<80xi32, #tpu.memory_space<hbm>>) dst(%arg10 : memref<80xi32, #tpu.memory_space<vmem>>)
      %dma_wait3A_363 = arith.constant 0 : i32
      %dma_wait3A_364 = arith.constant 0 : i32
      %dma_wait3A_365 = tpu.memref_slice %arg2[%dma_wait3A_363, %dma_wait3A_364] : memref<320000x128xf32, #tpu.memory_space<hbm>> -> memref<80x128xf32, #tpu.memory_space<hbm>>
      %dma_wait3A_366 = arith.constant 0 : i32
      %dma_wait3A_367 = arith.constant 0 : i32
      %dma_wait3A_368 = tpu.memref_slice %arg2[%dma_wait3A_366, %dma_wait3A_367] : memref<320000x128xf32, #tpu.memory_space<hbm>> -> memref<80x128xf32, #tpu.memory_space<hbm>>
      tpu.wait_dma2 semaphore(%arg17 : memref<!tpu.dma_semaphore, #tpu.memory_space<semaphore_mem>>) src(%dma_wait3A_368 : memref<80x128xf32, #tpu.memory_space<hbm>>) dst(%arg7 : memref<80x128xf32, #tpu.memory_space<vmem>>)
      %dma_start3A_369 = arith.constant 0 : i32
      %dma_start3A_370 = arith.constant 0 : i32
      %dma_start3A_371 = tpu.memref_slice %arg14[%dma_start3A_369, %dma_start3A_370] : memref<10000x128xf32, #tpu.memory_space<vmem_shared>> -> memref<10000x128xf32, #tpu.memory_space<vmem_shared>>
      tpu.enqueue_indirect_dma source(%arg7 : memref<80x128xf32, #tpu.memory_space<vmem>>) target(%dma_start3A_371 : memref<10000x128xf32, #tpu.memory_space<vmem_shared>>) offsets(%arg10 : memref<80xi32, #tpu.memory_space<vmem>>) semaphore(%arg20 : memref<!tpu.dma_semaphore, #tpu.memory_space<semaphore_mem>>) {add = true}
      %get3A_372 = arith.constant 0 : index
      %get3A_373 = tpu.vector_load %arg10[%get3A_372] {strides = array<i32>} : memref<80xi32, #tpu.memory_space<vmem>>, vector<16xi32>,
      %shift_right_logical3A_374 = arith.constant 7 : i32
      %shift_right_logical3A_375 = vector.broadcast %shift_right_logical3A_374 : i32 to vector<16xi32>
      %shift_right_logical3A_376 = arith.shrui %get3A_373, %shift_right_logical3A_375 : vector<16xi32>
      %and3A_377 = arith.constant 127 : i32
      %and3A_378 = vector.broadcast %and3A_377 : i32 to vector<16xi32>
      %and3A_379 = arith.andi %get3A_373, %and3A_378 : vector<16xi32>
      tpu.vector_store_idx %arg12[%shift_right_logical3A_376, %and3A_379], %broadcast_in_dim3A_5 {add = true} : memref<80x128xf32, #tpu.memory_space<vmem>>[vector<16xi32>, vector<16xi32>], vector<16xf32>,
      %get3A_380 = arith.constant 16 : index
      %get3A_381 = tpu.vector_load %arg10[%get3A_380] {strides = array<i32>} : memref<80xi32, #tpu.memory_space<vmem>>, vector<16xi32>,
      %shift_right_logical3A_382 = arith.constant 7 : i32
      %shift_right_logical3A_383 = vector.broadcast %shift_right_logical3A_382 : i32 to vector<16xi32>
      %shift_right_logical3A_384 = arith.shrui %get3A_381, %shift_right_logical3A_383 : vector<16xi32>
      %and3A_385 = arith.constant 127 : i32
      %and3A_386 = vector.broadcast %and3A_385 : i32 to vector<16xi32>
      %and3A_387 = arith.andi %get3A_381, %and3A_386 : vector<16xi32>
      tpu.vector_store_idx %arg12[%shift_right_logical3A_384, %and3A_387], %broadcast_in_dim3A_5 {add = true} : memref<80x128xf32, #tpu.memory_space<vmem>>[vector<16xi32>, vector<16xi32>], vector<16xf32>,
      %get3A_388 = arith.constant 32 : index
      %get3A_389 = tpu.vector_load %arg10[%get3A_388] {strides = array<i32>} : memref<80xi32, #tpu.memory_space<vmem>>, vector<16xi32>,
      %shift_right_logical3A_390 = arith.constant 7 : i32
      %shift_right_logical3A_391 = vector.broadcast %shift_right_logical3A_390 : i32 to vector<16xi32>
      %shift_right_logical3A_392 = arith.shrui %get3A_389, %shift_right_logical3A_391 : vector<16xi32>
      %and3A_393 = arith.constant 127 : i32
      %and3A_394 = vector.broadcast %and3A_393 : i32 to vector<16xi32>
      %and3A_395 = arith.andi %get3A_389, %and3A_394 : vector<16xi32>
      tpu.vector_store_idx %arg12[%shift_right_logical3A_392, %and3A_395], %broadcast_in_dim3A_5 {add = true} : memref<80x128xf32, #tpu.memory_space<vmem>>[vector<16xi32>, vector<16xi32>], vector<16xf32>,
      %get3A_396 = arith.constant 48 : index
      %get3A_397 = tpu.vector_load %arg10[%get3A_396] {strides = array<i32>} : memref<80xi32, #tpu.memory_space<vmem>>, vector<16xi32>,
      %shift_right_logical3A_398 = arith.constant 7 : i32
      %shift_right_logical3A_399 = vector.broadcast %shift_right_logical3A_398 : i32 to vector<16xi32>
      %shift_right_logical3A_400 = arith.shrui %get3A_397, %shift_right_logical3A_399 : vector<16xi32>
      %and3A_401 = arith.constant 127 : i32
      %and3A_402 = vector.broadcast %and3A_401 : i32 to vector<16xi32>
      %and3A_403 = arith.andi %get3A_397, %and3A_402 : vector<16xi32>
      tpu.vector_store_idx %arg12[%shift_right_logical3A_400, %and3A_403], %broadcast_in_dim3A_5 {add = true} : memref<80x128xf32, #tpu.memory_space<vmem>>[vector<16xi32>, vector<16xi32>], vector<16xf32>,
      %get3A_404 = arith.constant 64 : index
      %get3A_405 = tpu.vector_load %arg10[%get3A_404] {strides = array<i32>} : memref<80xi32, #tpu.memory_space<vmem>>, vector<16xi32>,
      %shift_right_logical3A_406 = arith.constant 7 : i32
      %shift_right_logical3A_407 = vector.broadcast %shift_right_logical3A_406 : i32 to vector<16xi32>
      %shift_right_logical3A_408 = arith.shrui %get3A_405, %shift_right_logical3A_407 : vector<16xi32>
      %and3A_409 = arith.constant 127 : i32
      %and3A_410 = vector.broadcast %and3A_409 : i32 to vector<16xi32>
      %and3A_411 = arith.andi %get3A_405, %and3A_410 : vector<16xi32>
      tpu.vector_store_idx %arg12[%shift_right_logical3A_408, %and3A_411], %broadcast_in_dim3A_5 {add = true} : memref<80x128xf32, #tpu.memory_space<vmem>>[vector<16xi32>, vector<16xi32>], vector<16xf32>,
      %dma_wait3A_412 = arith.constant 0 : i32
      %dma_wait3A_413 = arith.constant 0 : i32
      %dma_wait3A_414 = tpu.memref_slice %arg2[%dma_wait3A_412, %dma_wait3A_413] : memref<320000x128xf32, #tpu.memory_space<hbm>> -> memref<80x128xf32, #tpu.memory_space<hbm>>
      %dma_wait3A_415 = arith.constant 0 : i32
      %dma_wait3A_416 = arith.constant 0 : i32
      %dma_wait3A_417 = tpu.memref_slice %arg2[%dma_wait3A_415, %dma_wait3A_416] : memref<320000x128xf32, #tpu.memory_space<hbm>> -> memref<80x128xf32, #tpu.memory_space<hbm>>
      tpu.wait_dma2 semaphore(%arg19 : memref<!tpu.dma_semaphore, #tpu.memory_space<semaphore_mem>>) src(%dma_wait3A_417 : memref<80x128xf32, #tpu.memory_space<hbm>>) dst(%arg6 : memref<80x128xf32, #tpu.memory_space<vmem>>)
      %add3A_418 = arith.constant 2 : i32
      %add3A_419 = arith.addi %add3A_358, %add3A_418 : i32
      %lt3A_420 = arith.constant 125 : i32
      %lt3A_421 = arith.cmpi slt, %add3A_419, %lt3A_420 : i32
      %convert_element_type3A_422 = arith.extui %lt3A_421 : i1 to i32
      %cond3A_423 = arith.constant 0 : i32
      %cond3A_424 = arith.cmpi ne, %convert_element_type3A_422, %cond3A_423 : i32
      scf.if %cond3A_424 {
        %add3A_425 = arith.constant 2 : i32
        %add3A_426 = arith.addi %add3A_358, %add3A_425 : i32
        %add3A_427 = arith.constant 320000 : i32
        %add3A_428 = arith.addi %add3A_427, %mul3A_2 : i32
        %mul3A_429 = arith.constant 80 : i32
        %mul3A_430 = arith.muli %add3A_426, %mul3A_429 : i32
        %add3A_431 = arith.addi %add3A_428, %mul3A_430 : i32
        %dma_start3A_432 = tpu.memref_slice %arg3[%add3A_431] : memref<640000xi32, #tpu.memory_space<hbm>> -> memref<80xi32, #tpu.memory_space<hbm>>
        %dma_start3A_433 = tpu.memref_slice %arg3[%add3A_431] : memref<640000xi32, #tpu.memory_space<hbm>> -> memref<80xi32, #tpu.memory_space<hbm>>
        tpu.enqueue_dma source(%dma_start3A_433 : memref<80xi32, #tpu.memory_space<hbm>>) target(%arg9 : memref<80xi32, #tpu.memory_space<vmem>>) target_semaphore(%arg16 : memref<!tpu.dma_semaphore, #tpu.memory_space<semaphore_mem>>)
        %mul3A_434 = arith.constant 80 : i32
        %mul3A_435 = arith.muli %add3A_426, %mul3A_434 : i32
        %add3A_436 = arith.addi %mul3A_2, %mul3A_435 : i32
        %dma_start3A_437 = arith.constant 0 : i32
        %dma_start3A_438 = tpu.memref_slice %arg2[%add3A_436, %dma_start3A_437] : memref<320000x128xf32, #tpu.memory_space<hbm>> -> memref<80x128xf32, #tpu.memory_space<hbm>>
        %dma_start3A_439 = arith.constant 0 : i32
        %dma_start3A_440 = tpu.memref_slice %arg2[%add3A_436, %dma_start3A_439] : memref<320000x128xf32, #tpu.memory_space<hbm>> -> memref<80x128xf32, #tpu.memory_space<hbm>>
        tpu.enqueue_dma source(%dma_start3A_440 : memref<80x128xf32, #tpu.memory_space<hbm>>) target(%arg6 : memref<80x128xf32, #tpu.memory_space<vmem>>) target_semaphore(%arg16 : memref<!tpu.dma_semaphore, #tpu.memory_space<semaphore_mem>>)
      } else {
      }
    }
    %scan3A_200 = arith.constant 41 : i32
    %dma_wait3A_201 = arith.constant 0 : i32
    %dma_wait3A_202 = arith.constant 0 : i32
    %dma_wait3A_203 = tpu.memref_slice %arg2[%dma_wait3A_201, %dma_wait3A_202] : memref<320000x128xf32, #tpu.memory_space<hbm>> -> memref<80x128xf32, #tpu.memory_space<hbm>>
    %dma_wait3A_204 = arith.constant 0 : i32
    %dma_wait3A_205 = arith.constant 0 : i32
    %dma_wait3A_206 = tpu.memref_slice %arg2[%dma_wait3A_204, %dma_wait3A_205] : memref<320000x128xf32, #tpu.memory_space<hbm>> -> memref<80x128xf32, #tpu.memory_space<hbm>>
    tpu.wait_dma2 semaphore(%arg20 : memref<!tpu.dma_semaphore, #tpu.memory_space<semaphore_mem>>) src(%dma_wait3A_206 : memref<80x128xf32, #tpu.memory_space<hbm>>) dst(%arg7 : memref<80x128xf32, #tpu.memory_space<vmem>>)
    %barrier3A_207 = arith.constant 0 : index
    tpu.barrier barrier_id(%barrier3A_207)
    "tpu.region"() ({
      %run_scoped3A = tpu.sem_alloc : memref<!tpu.dma_semaphore, #tpu.memory_space<semaphore_mem>>
      %dma_start3A_219 = arith.constant 0 : i32
      %dma_start3A_220 = arith.constant 0 : i32
      %dma_start3A_221 = tpu.memref_slice %arg15[%dma_start3A_219, %dma_start3A_220] : memref<80x128xf32, #tpu.memory_space<vmem_shared>> -> memref<80x128xf32, #tpu.memory_space<vmem_shared>>
      tpu.enqueue_indirect_dma source(%arg12 : memref<80x128xf32, #tpu.memory_space<vmem>>) target(%dma_start3A_221 : memref<80x128xf32, #tpu.memory_space<vmem_shared>>) offsets(%arg13 : memref<80xi32, #tpu.memory_space<vmem>>) semaphore(%run_scoped3A : memref<!tpu.dma_semaphore, #tpu.memory_space<semaphore_mem>>) {add = true}
      %dma_wait3A_222 = arith.constant 0 : i32
      %dma_wait3A_223 = arith.constant 0 : i32
      %dma_wait3A_224 = tpu.memref_slice %arg15[%dma_wait3A_222, %dma_wait3A_223] : memref<80x128xf32, #tpu.memory_space<vmem_shared>> -> memref<80x128xf32, #tpu.memory_space<vmem_shared>>
      tpu.wait_indirect_dma semaphore(%run_scoped3A : memref<!tpu.dma_semaphore, #tpu.memory_space<semaphore_mem>>) src(%arg12 : memref<80x128xf32, #tpu.memory_space<vmem>>) dst(%dma_wait3A_224 : memref<80x128xf32, #tpu.memory_space<vmem_shared>>)
      tpu.yield
    }) : () -> ()
    %scan3A_208 = arith.constant 0 : i32
    %scan3A_209 = arith.constant 8 : i32
    %scan3A_210 = arith.addi %scan3A_208, %scan3A_209 : i32
    %scan3A_211 = arith.constant 1 : i32
    scf.for %scan3A_219 = %scan3A_208 to %scan3A_210 step %scan3A_211  : i32 {
      %mul3A_220 = arith.constant 16 : i32
      %mul3A_221 = arith.muli %scan3A_219, %mul3A_220 : i32
      %add3A_222 = arith.addi %mul3A_221, %arg1 : i32
      %lt3A = arith.constant 125 : i32
      %lt3A_223 = arith.cmpi slt, %add3A_222, %lt3A : i32
      %convert_element_type3A_224 = arith.extui %lt3A_223 : i1 to i32
      %cond3A_225 = arith.constant 0 : i32
      %cond3A_226 = arith.cmpi ne, %convert_element_type3A_224, %cond3A_225 : i32
      scf.if %cond3A_226 {
        %mul3A_227 = arith.constant 80 : i32
        %mul3A_228 = arith.muli %add3A_222, %mul3A_227 : i32
        "tpu.region"() ({
          %run_scoped3A = tpu.sem_alloc : memref<!tpu.dma_semaphore, #tpu.memory_space<semaphore_mem>>
          %dma_start3A_229 = arith.constant 0 : i32
          %dma_start3A_230 = tpu.memref_slice %arg14[%mul3A_228, %dma_start3A_229] : memref<10000x128xf32, #tpu.memory_space<vmem_shared>> -> memref<80x128xf32, #tpu.memory_space<vmem_shared>>
          %dma_start3A_231 = arith.constant 0 : i32
          %dma_start3A_232 = tpu.memref_slice %arg14[%mul3A_228, %dma_start3A_231] : memref<10000x128xf32, #tpu.memory_space<vmem_shared>> -> memref<80x128xf32, #tpu.memory_space<vmem_shared>>
          tpu.enqueue_dma source(%dma_start3A_232 : memref<80x128xf32, #tpu.memory_space<vmem_shared>>) target(%arg12 : memref<80x128xf32, #tpu.memory_space<vmem>>) target_semaphore(%run_scoped3A : memref<!tpu.dma_semaphore, #tpu.memory_space<semaphore_mem>>)
          %dma_wait3A_233 = arith.constant 0 : i32
          %dma_wait3A_234 = tpu.memref_slice %arg14[%mul3A_228, %dma_wait3A_233] : memref<10000x128xf32, #tpu.memory_space<vmem_shared>> -> memref<80x128xf32, #tpu.memory_space<vmem_shared>>
          %dma_wait3A_235 = arith.constant 0 : i32
          %dma_wait3A_236 = tpu.memref_slice %arg14[%mul3A_228, %dma_wait3A_235] : memref<10000x128xf32, #tpu.memory_space<vmem_shared>> -> memref<80x128xf32, #tpu.memory_space<vmem_shared>>
          tpu.wait_dma2 semaphore(%run_scoped3A : memref<!tpu.dma_semaphore, #tpu.memory_space<semaphore_mem>>) src(%dma_wait3A_236 : memref<80x128xf32, #tpu.memory_space<vmem_shared>>) dst(%arg12 : memref<80x128xf32, #tpu.memory_space<vmem>>)
          tpu.yield
        }) : () -> ()
        "tpu.region"() ({
          %run_scoped3A = tpu.sem_alloc : memref<!tpu.dma_semaphore, #tpu.memory_space<semaphore_mem>>
          %dma_start3A_229 = arith.constant 0 : i32
          %dma_start3A_230 = arith.constant 0 : i32
          %dma_start3A_231 = tpu.memref_slice %arg4[%arg0, %add3A_222, %dma_start3A_229, %dma_start3A_230] : memref<2x125x80x128xf32, #tpu.memory_space<hbm>> -> memref<1x1x80x128xf32, #tpu.memory_space<hbm>>
          %dma_start3A_232 = tpu.memref_squeeze %dma_start3A_231 : memref<1x1x80x128xf32, #tpu.memory_space<hbm>> -> memref<80x128xf32, #tpu.memory_space<hbm>>
          %dma_start3A_233 = arith.constant 0 : i32
          %dma_start3A_234 = arith.constant 0 : i32
          %dma_start3A_235 = tpu.memref_slice %arg4[%arg0, %add3A_222, %dma_start3A_233, %dma_start3A_234] : memref<2x125x80x128xf32, #tpu.memory_space<hbm>> -> memref<1x1x80x128xf32, #tpu.memory_space<hbm>>
          %dma_start3A_236 = tpu.memref_squeeze %dma_start3A_235 : memref<1x1x80x128xf32, #tpu.memory_space<hbm>> -> memref<80x128xf32, #tpu.memory_space<hbm>>
          tpu.enqueue_dma source(%arg12 : memref<80x128xf32, #tpu.memory_space<vmem>>) target(%dma_start3A_236 : memref<80x128xf32, #tpu.memory_space<hbm>>) target_semaphore(%run_scoped3A : memref<!tpu.dma_semaphore, #tpu.memory_space<semaphore_mem>>)
          %dma_wait3A_237 = arith.constant 0 : i32
          %dma_wait3A_238 = arith.constant 0 : i32
          %dma_wait3A_239 = tpu.memref_slice %arg4[%arg0, %add3A_222, %dma_wait3A_237, %dma_wait3A_238] : memref<2x125x80x128xf32, #tpu.memory_space<hbm>> -> memref<1x1x80x128xf32, #tpu.memory_space<hbm>>
          %dma_wait3A_240 = tpu.memref_squeeze %dma_wait3A_239 : memref<1x1x80x128xf32, #tpu.memory_space<hbm>> -> memref<80x128xf32, #tpu.memory_space<hbm>>
          %dma_wait3A_241 = arith.constant 0 : i32
          %dma_wait3A_242 = arith.constant 0 : i32
          %dma_wait3A_243 = tpu.memref_slice %arg4[%arg0, %add3A_222, %dma_wait3A_241, %dma_wait3A_242] : memref<2x125x80x128xf32, #tpu.memory_space<hbm>> -> memref<1x1x80x128xf32, #tpu.memory_space<hbm>>
          %dma_wait3A_244 = tpu.memref_squeeze %dma_wait3A_243 : memref<1x1x80x128xf32, #tpu.memory_space<hbm>> -> memref<80x128xf32, #tpu.memory_space<hbm>>
          tpu.wait_dma2 semaphore(%run_scoped3A : memref<!tpu.dma_semaphore, #tpu.memory_space<semaphore_mem>>) src(%arg12 : memref<80x128xf32, #tpu.memory_space<vmem>>) dst(%dma_wait3A_244 : memref<80x128xf32, #tpu.memory_space<hbm>>)
          tpu.yield
        }) : () -> ()
      } else {
      }
    }
    %scan3A_212 = arith.constant 8 : i32
    %barrier3A_213 = arith.constant 0 : index
    tpu.barrier barrier_id(%barrier3A_213)
    %eq3A_214 = arith.constant 0 : i32
    %eq3A_215 = arith.cmpi eq, %arg1, %eq3A_214 : i32
    %convert_element_type3A_216 = arith.extui %eq3A_215 : i1 to i32
    %cond3A_217 = arith.constant 0 : i32
    %cond3A_218 = arith.cmpi ne, %convert_element_type3A_216, %cond3A_217 : i32
    scf.if %cond3A_218 {
      "tpu.region"() ({
        %run_scoped3A = tpu.sem_alloc : memref<!tpu.dma_semaphore, #tpu.memory_space<semaphore_mem>>
        tpu.enqueue_dma source(%arg15 : memref<80x128xf32, #tpu.memory_space<vmem_shared>>) target(%arg12 : memref<80x128xf32, #tpu.memory_space<vmem>>) target_semaphore(%run_scoped3A : memref<!tpu.dma_semaphore, #tpu.memory_space<semaphore_mem>>)
        tpu.wait_dma2 semaphore(%run_scoped3A : memref<!tpu.dma_semaphore, #tpu.memory_space<semaphore_mem>>) src(%arg15 : memref<80x128xf32, #tpu.memory_space<vmem_shared>>) dst(%arg12 : memref<80x128xf32, #tpu.memory_space<vmem>>)
        tpu.yield
      }) : () -> ()
      "tpu.region"() ({
        %run_scoped3A = tpu.sem_alloc : memref<!tpu.dma_semaphore, #tpu.memory_space<semaphore_mem>>
        %dma_start3A_219 = arith.constant 0 : i32
        %dma_start3A_220 = arith.constant 0 : i32
        %dma_start3A_221 = tpu.memref_slice %arg5[%arg0, %dma_start3A_219, %dma_start3A_220] : memref<2x80x128xf32, #tpu.memory_space<hbm>> -> memref<1x80x128xf32, #tpu.memory_space<hbm>>
        %dma_start3A_222 = tpu.memref_squeeze %dma_start3A_221 : memref<1x80x128xf32, #tpu.memory_space<hbm>> -> memref<80x128xf32, #tpu.memory_space<hbm>>
        %dma_start3A_223 = arith.constant 0 : i32
        %dma_start3A_224 = arith.constant 0 : i32
        %dma_start3A_225 = tpu.memref_slice %arg5[%arg0, %dma_start3A_223, %dma_start3A_224] : memref<2x80x128xf32, #tpu.memory_space<hbm>> -> memref<1x80x128xf32, #tpu.memory_space<hbm>>
        %dma_start3A_226 = tpu.memref_squeeze %dma_start3A_225 : memref<1x80x128xf32, #tpu.memory_space<hbm>> -> memref<80x128xf32, #tpu.memory_space<hbm>>
        tpu.enqueue_dma source(%arg12 : memref<80x128xf32, #tpu.memory_space<vmem>>) target(%dma_start3A_226 : memref<80x128xf32, #tpu.memory_space<hbm>>) target_semaphore(%run_scoped3A : memref<!tpu.dma_semaphore, #tpu.memory_space<semaphore_mem>>)
        %dma_wait3A_227 = arith.constant 0 : i32
        %dma_wait3A_228 = arith.constant 0 : i32
        %dma_wait3A_229 = tpu.memref_slice %arg5[%arg0, %dma_wait3A_227, %dma_wait3A_228] : memref<2x80x128xf32, #tpu.memory_space<hbm>> -> memref<1x80x128xf32, #tpu.memory_space<hbm>>
        %dma_wait3A_230 = tpu.memref_squeeze %dma_wait3A_229 : memref<1x80x128xf32, #tpu.memory_space<hbm>> -> memref<80x128xf32, #tpu.memory_space<hbm>>
        %dma_wait3A_231 = arith.constant 0 : i32
        %dma_wait3A_232 = arith.constant 0 : i32
        %dma_wait3A_233 = tpu.memref_slice %arg5[%arg0, %dma_wait3A_231, %dma_wait3A_232] : memref<2x80x128xf32, #tpu.memory_space<hbm>> -> memref<1x80x128xf32, #tpu.memory_space<hbm>>
        %dma_wait3A_234 = tpu.memref_squeeze %dma_wait3A_233 : memref<1x80x128xf32, #tpu.memory_space<hbm>> -> memref<80x128xf32, #tpu.memory_space<hbm>>
        tpu.wait_dma2 semaphore(%run_scoped3A : memref<!tpu.dma_semaphore, #tpu.memory_space<semaphore_mem>>) src(%arg12 : memref<80x128xf32, #tpu.memory_space<vmem>>) dst(%dma_wait3A_234 : memref<80x128xf32, #tpu.memory_space<hbm>>)
        tpu.yield
      }) : () -> ()
    } else {
    }
    return
  }
}

module attributes {stable_mosaic.version = 14 : i64} {
  func.func @k(%arg0: i32, %arg1: memref<1x1000x128xf32, #tpu.memory_space<vmem>>, %arg2: memref<1x1000x128xf32, #tpu.memory_space<vmem>>, %arg3: memref<1000x2xf32, #tpu.memory_space<vmem>>, %arg4: memref<1000x128xf32, #tpu.memory_space<vmem>>) attributes {dimension_semantics = [#tpu.dimension_semantics<arbitrary>], iteration_bounds = array<i64: 10>, scalar_prefetch = 0 : i64, scratch_operands = 0 : i64, tpu.core_type = #tpu.core_type<tc>, window_params = [{transform_indices = @transform_0, window_bounds = array<i64: 1, 1000, 128>}, {transform_indices = @transform_1, window_bounds = array<i64: 1, 1000, 128>}, {transform_indices = @transform_2, window_bounds = array<i64: 1000, 2>}, {transform_indices = @transform_3, window_bounds = array<i64: 1000, 128>}]} {
    %get3A = arith.constant 0 : index
    %get3A_0 = arith.constant 0 : index
    %get3A_1 = vector.load %arg3[%get3A, %get3A_0] : memref<1000x2xf32, #tpu.memory_space<vmem>>, vector<1000x2xf32>
    %reduce_sum3A = arith.constant dense<0.000000e+00> : vector<1000xf32>
    %reduce_sum3A_2 = vector.multi_reduction <add>, %get3A_1, %reduce_sum3A [1] : vector<1000x2xf32> to vector<1000xf32>
    %broadcast_in_dim3A = vector.shape_cast %reduce_sum3A_2 : vector<1000xf32> to vector<1000x1xf32>
    %add3A = arith.constant 1.000000e-16 : f32
    %add3A_3 = vector.broadcast %add3A : f32 to vector<1000x1xf32>
    %add3A_4 = arith.addf %broadcast_in_dim3A, %add3A_3 : vector<1000x1xf32>
    %get3A_5 = arith.constant 0 : index
    %get3A_6 = arith.constant 0 : index
    %get3A_7 = arith.constant 0 : index
    %get3A_8 = vector.load %arg1[%get3A_5, %get3A_6, %get3A_7] : memref<1x1000x128xf32, #tpu.memory_space<vmem>>, vector<1x1000x128xf32>
    %get3A_9 = vector.shape_cast %get3A_8 : vector<1x1000x128xf32> to vector<1000x128xf32>
    %get3A_10 = arith.constant 0 : index
    %get3A_11 = arith.constant 0 : index
    %get3A_12 = arith.constant 0 : index
    %get3A_13 = vector.load %arg2[%get3A_10, %get3A_11, %get3A_12] : memref<1x1000x128xf32, #tpu.memory_space<vmem>>, vector<1x1000x128xf32>
    %get3A_14 = vector.shape_cast %get3A_13 : vector<1x1000x128xf32> to vector<1000x128xf32>
    %add3A_15 = arith.addf %get3A_9, %get3A_14 : vector<1000x128xf32>
    %div3A = vector.broadcast %add3A_4 : vector<1000x1xf32> to vector<1000x128xf32>
    %div3A_16 = arith.divf %add3A_15, %div3A : vector<1000x128xf32>
    %swap3A = arith.constant 0 : index
    %swap3A_17 = arith.constant 0 : index
    %swap3A_18 = vector.load %arg4[%swap3A, %swap3A_17] : memref<1000x128xf32, #tpu.memory_space<vmem>>, vector<1000x128xf32>
    tpu.vector_store %arg4[%swap3A, %swap3A_17], %div3A_16 {strides = array<i32>} : memref<1000x128xf32, #tpu.memory_space<vmem>>, vector<1000x128xf32>,
    return
  }
  func.func @transform_0(%arg0: i32) -> (i32, i32, i32) {
    %c0_i32 = arith.constant 0 : i32
    %c0_i32_0 = arith.constant 0 : i32
    %c0_i32_1 = arith.constant 0 : i32
    return %c0_i32, %arg0, %c0_i32_0 : i32, i32, i32
  }
  func.func @transform_1(%arg0: i32) -> (i32, i32, i32) {
    %c1_i32 = arith.constant 1 : i32
    %c0_i32 = arith.constant 0 : i32
    %c0_i32_0 = arith.constant 0 : i32
    return %c1_i32, %arg0, %c0_i32 : i32, i32, i32
  }
  func.func @transform_2(%arg0: i32) -> (i32, i32) {
    %c0_i32 = arith.constant 0 : i32
    %c0_i32_0 = arith.constant 0 : i32
    return %arg0, %c0_i32 : i32, i32
  }
  func.func @transform_3(%arg0: i32) -> (i32, i32) {
    %c0_i32 = arith.constant 0 : i32
    %c0_i32_0 = arith.constant 0 : i32
    return %arg0, %c0_i32 : i32, i32
  }
}

</mosaic_0001>

<sc_bundles>
// kernel: kernel.4.cloned.1.call-start
scs
__scs_entry_jumppad:
0x0: {  	(pc) =	sbr.rel $0x88, $3  }
0x1: {  	(tag) =	ssettag $0x0;
	lr =	simm.s32 $0x1  }
0x2: {  	[smem:$0x3F9F] =	sst lr;
	_ =	strace $0xD0000000  }
0x3: {  	_ = 	snop  }
0x4: {  	_ = 	snop  }
0x5: {  	_ = 	snop  }
0x6: {  	_ = 	snop  }
0x7: {  	_ = 	snop  }
__scs_overlays_trampoline_lowered:
0x8: {  	[smem:$0x3FAE] =	sst s0  }
0x9: {  	[smem:$0x3FAF] =	sst s1  }
0xa: {  	[smem:$0x3FB0] =	sst s2  }
0xb: {  	[smem:$0x3FB1] =	sst s3  }
0xc: {  	[smem:$0x3FB2] =	sst s4  }
0xd: {  	[smem:$0x3FB3] =	sst s5  }
0xe: {  	[smem:$0x3FB4] =	sst s6  }
0xf: {  	[smem:$0x3FB5] =	sst s7  }
0x10: {  	[smem:$0x3FB6] =	sst s8  }
0x11: {  	[smem:$0x3FB7] =	sst s9;
	s0 =	simm.s32 @!p0 $0x0  }
0x12: {  	s1 =	sld [smem:$0x3F9D];
	s0 =	simm.s32 @p0 $0x1  }
0x13: {  	[smem:$0x3FB8] =	sst s0;
	s0 =	simm.s32 @!p1 $0x0  }
0x14: {  	s2 =	sld [smem:$0x3F9C];
	s0 =	simm.s32 @p1 $0x1  }
0x15: {  	[smem:$0x3FB9] =	sst s0;
	s0 =	simm.s32 @!p2 $0x0  }
0x16: {  	s3 =	sld [smem:$0x3FDB];
	s0 =	simm.s32 @p2 $0x1  }
0x17: {  	s4 =	simm.s32 $0x1BF5;
	[smem:$0x3FBB] =	sst s0  }
0x18: {  	s0 =	sld [smem:$0x3F9E];
	_ =	swait.ge [sflag:s4], $0x0  }
0x19: {  	s7 =	sld [smem:$0x3F9F]  }
0x1a: {  	s8 =	sadd.s32 $0xFFFFE003, lr  }
0x1b: {  	s9 =	sadd.s32 $0xFFFFFEF7, lr;
	s5 =	simm.s32 $0xFFFFFFFF;
	p2 =	slt.u32 s8, $0xFFFFF086  }
0x1c: {  	p1 =	slt.u32 s9, $0xF7A;
	s5 =	simm.s32 @!p2 $0x0  }
0x1d: {  	s5 =	simm.s32 @p1 $0x1;
	p0 =	seq.s32 s7, s2  }
0x1e: {  	s7 =	smul.u32 @!p0 $0xF7A, s2;
	p2 =	seq.s32 @!p0 s5, $0x0  }
0x1f: {  	s9 =	smul.u32 $0xF7A, s1;
	s8 =	simm.s32 @!p0 $0x1BF5;
	p2 =	por !p2, p0  }
0x20: {  	[sflag:s8] =	ssyncset.s32 @!p0 $0xFFFFF086;
	s6 =	sadd.s32 @!p0 s3, s7;
	s7 =	simm.s32 @!p0 $0x108  }
0x21: {  	s3 =	sadd.s32 s3, s9;
	s6 =	sadd.s32 @!p0 $0x88, s6;
	s7 =	simm.s32 @p2 $0x1082  }
0x22: {  	[simem:s7], [sflag:s8] =	dma.local @!p0 [hbm:s6], $0xF7A  }
0x23: {  	s9 =	sor.u32 $0xD0000000, s2;
	s6 =	simm.s32 $0x108;
	_ =	swait.ge @!p0 [sflag:s8], $0x0  }
0x24: {  	s3 =	sadd.s32 $0x88, s3;
	s6 =	simm.s32 @!p1 $0x1082;
	[sflag:s4] =	ssyncset.s32 $0xFFFFF086  }
0x25: {  	[simem:s6], [sflag:s4] =	dma.local [hbm:s3], $0xF7A  }
0x26: {  	[smem:$0x3F9F] =	sst s1;
	(tag) =	ssettag s2;
	_ =	strace s9  }
0x27: {  	s1 =	sld [smem:$0x3FAF]  }
0x28: {  	s2 =	sld [smem:$0x3FB0]  }
0x29: {  	s4 =	sld [smem:$0x3FB2]  }
0x2a: {  	p0 =	seq.s32 s5, $0x0;
	s5 =	sld [smem:$0x3FB3]  }
0x2b: {  	s6 =	sld [smem:$0x3FB4]  }
0x2c: {  	s7 =	sld [smem:$0x3FB5]  }
0x2d: {  	s3 =	simm.s32 $0x108;
	s8 =	sld [smem:$0x3FB6]  }
0x2e: {  	s3 =	simm.s32 @!p0 $0x1082;
	s9 =	sld [smem:$0x3FB7]  }
0x2f: {  	lr =	sadd.s32 s0, s3;
	s0 =	sld [smem:$0x3FAE]  }
0x30: {  	s3 =	sld [smem:$0x3FB1]  }
0x31: {  	[smem:$0x3FBA] =	sst s10  }
0x32: {  	s10 =	sld [smem:$0x3FB8];
	_ =	sdelay $0x3  }
0x33: {  	p0 =	seq.s32 s10, $0x1;
	s10 =	sld [smem:$0x3FBA];
	_ =	sdelay $0x3  }
0x34: {  	[smem:$0x3FBA] =	sst s10  }
0x35: {  	s10 =	sld [smem:$0x3FB9];
	_ =	sdelay $0x3  }
0x36: {  	p1 =	seq.s32 s10, $0x1;
	s10 =	sld [smem:$0x3FBA];
	_ =	sdelay $0x3  }
0x37: {  	[smem:$0x3FBA] =	sst s10  }
0x38: {  	s10 =	sld [smem:$0x3FBB]  }
0x39: {  	_ = 	snop;
	(pc) =	sbr.ind lr, $3  }
0x3a: {  	_ = 	snop  }
0x3b: {  	_ = 	snop  }
0x3c: {  	p2 =	seq.s32 s10, $0x1;
	s10 =	sld [smem:$0x3FBA]  }
0x3d: {  	_ =	shalt  }
0x3e: {  	_ =	shalt  }
0x3f: {  	_ =	shalt  }
0x40: {  	_ =	shalt  }
0x41: {  	_ =	shalt  }
0x42: {  	_ =	shalt  }
0x43: {  	_ =	shalt  }
0x44: {  	_ =	shalt  }
0x45: {  	_ =	shalt  }
0x46: {  	_ =	shalt  }
0x47: {  	_ =	shalt  }
0x48: {  	_ =	shalt  }
0x49: {  	_ =	shalt  }
0x4a: {  	_ =	shalt  }
0x4b: {  	_ =	shalt  }
0x4c: {  	_ =	shalt  }
0x4d: {  	_ =	shalt  }
0x4e: {  	_ =	shalt  }
0x4f: {  	_ =	shalt  }
0x50: {  	_ =	shalt  }
0x51: {  	_ =	shalt  }
0x52: {  	_ =	shalt  }
0x53: {  	_ =	shalt  }
0x54: {  	_ =	shalt  }
0x55: {  	_ =	shalt  }
0x56: {  	_ =	shalt  }
0x57: {  	_ =	shalt  }
0x58: {  	_ =	shalt  }
0x59: {  	_ =	shalt  }
0x5a: {  	_ =	shalt  }
0x5b: {  	_ =	shalt  }
0x5c: {  	_ =	shalt  }
0x5d: {  	_ =	shalt  }
0x5e: {  	_ =	shalt  }
0x5f: {  	_ =	shalt  }
0x60: {  	_ =	shalt  }
0x61: {  	_ =	shalt  }
0x62: {  	_ =	shalt  }
0x63: {  	_ =	shalt  }
0x64: {  	_ =	shalt  }
0x65: {  	_ =	shalt  }
0x66: {  	_ =	shalt  }
0x67: {  	_ =	shalt  }
0x68: {  	_ =	shalt  }
0x69: {  	_ =	shalt  }
0x6a: {  	_ =	shalt  }
0x6b: {  	_ =	shalt  }
0x6c: {  	_ =	shalt  }
0x6d: {  	_ =	shalt  }
0x6e: {  	_ =	shalt  }
0x6f: {  	_ =	shalt  }
0x70: {  	_ =	shalt  }
0x71: {  	_ =	shalt  }
0x72: {  	_ =	shalt  }
0x73: {  	_ =	shalt  }
0x74: {  	_ =	shalt  }
0x75: {  	_ =	shalt  }
0x76: {  	_ =	shalt  }
0x77: {  	_ =	shalt  }
0x78: {  	_ =	shalt  }
0x79: {  	_ =	shalt  }
0x7a: {  	_ =	shalt  }
0x7b: {  	_ =	shalt  }
0x7c: {  	_ =	shalt  }
0x7d: {  	_ =	shalt  }
0x7e: {  	_ =	shalt  }
0x7f: {  	_ =	shalt  }
0x80: {  	_ =	shalt  }
0x81: {  	_ =	shalt  }
0x82: {  	_ =	shalt  }
0x83: {  	_ =	shalt  }
0x84: {  	_ =	shalt  }
0x85: {  	_ =	shalt  }
0x86: {  	_ =	shalt  }
0x87: {  	_ =	shalt  }
.Lfunc_end0:
.L_simem_size_0:
called_computation_lowered:
.L_overlay_start_0:
0x88: {  	s2 =	sld [smem:$0x3FD9]  }
0x89: {  	s3 =	sld [smem:$0x3FFE];
	_ =	sdelay $0x1  }
0x8a: {  	s1 =	srdreg.scid  }
0x8b: {  	s0 =	sand.u32 $0x1, s1  }
0x8c: {  	s17 =	sshll.u32 s0, $0xA;
	s2 =	sadd.s32 s3, s2  }
0x8d: {  	s2 =	sadd.s32 s2, s17  }
0x8e: {  	[smem:$0x3FC6] =	sst s2  }
0x8f: {  	_ = 	snop  }
0x90: {  	s2 =	sld [smem:$0x3FC9]  }
0x91: {  	s18 =	sld [smem:$0x3FD0];
	(tm) =	ssettm $0x1  }
0x92: {  	s4 =	sld [smem:$0x3FFB];
	_ =	sdelay $0x3  }
0x93: {  	_ =	strace s4  }
0x94: {  	s4 =	sld [smem:$0x3FFC];
	_ =	sdelay $0x3  }
0x95: {  	_ =	strace s4  }
0x96: {  	s4 =	sld [smem:$0x3FFD];
	_ =	sdelay $0x3  }
0x97: {  	_ =	strace s4  }
0x98: {  	_ =	strace $0x8FFFFFFF  }
0x99: {  	s19 =	sld [smem:$0x3FDB];
	_ =	sdelay $0x1  }
0x9a: {  	s5 =	simm.s32 $_scs_section_size  }
0x9b: {  	s6 =	simm.s32 $_size__tile_overlayer_lowered;
	s7 =	simm.s32 $_tile_overlayer_lowered  }
0x9c: {  	s22 =	simm.s32 $0x1BFF;
	s21 =	sshll.u32 s7, $0x1;
	s4 =	sadd.s32 s5, s19  }
0x9d: {  	s8 =	simm.s32 $0x0;
	s20 =	sshll.u32 s6, $0x1;
	s6 =	sadd.s32 s21, s4  }
0x9e: {  	[timem:s8], [sflag:s22] =	dma.local [hbm:s6], s20  }
0x9f: {  	_ =	swait.ge [sflag:s22], s20  }
0xa0: {  	s5 =	ssub.s32 $0x0, s20;
	[sflag:s22] =	ssyncset.done $0x0  }
0xa1: {  	[sflag:s22] =	ssyncadd.s32 s5;
	_ =	sdelay $0x1  }
0xa2: {  	s23 =	simm.s32 $0x1B8B  }
0xa3: {  	_ =	swait.ge [sflag:s23], $0x1  }
0xa4: {  	[sflag:s23] =	ssyncset.done $0x0  }
0xa5: {  	s25 =	simm.s32 $0x1B8E;
	s24 =	sld [smem:$0x3FFE];
	[sflag:s23] =	ssyncadd.s32 $0xFFFFFFFF  }
0xa6: {  	s26 =	simm.s32 $execute0_lowered;
	[smem:$0x3FD2] =	sst s25  }
0xa7: {  	s6 =	sshll.u32 s26, $0x1;
	_ =	strace $0x80000046;
	[dreg:$0x1] =	wrdreg $0xFFFFFFFF  }
0xa8: {  	s28 =	simm.s32 $_size_execute0_lowered;
	s4 =	sadd.s32 s4, s6;
	[dreg:$0x0] =	wrdreg $0x0  }
0xa9: {  	s6 =	sshll.u32 s28, $0x1;
	[dreg:$0x2] =	wrdreg s4  }
0xaa: {  	[dreg:$0x3] =	wrdreg s6  }
0xab: {  	[dreg:$0x4] =	wrdreg $0xC0  }
0xac: {  	_ =	task [dreg:s8], $0x5FFFF  }
0xad: {  	[dreg:$0x1] =	wrdreg $0xFFFFFFFF  }
0xae: {  	[dreg:$0x0] =	wrdreg $0x60  }
0xaf: {  	[dreg:$0x2] =	wrdreg s2  }
0xb0: {  	[dreg:$0x3] =	wrdreg s18  }
0xb1: {  	[dreg:$0x4] =	wrdreg s24  }
0xb2: {  	[dreg:$0x5] =	wrdreg $0xA2000  }
0xb3: {  	[dreg:$0x6] =	wrdreg $0x1DA800  }
0xb4: {  	[dreg:$0x7] =	wrdreg $0x9  }
0xb5: {  	_ =	task.clear_ibuf [dreg:s8], $0x8FFFF;
	_ =	strace $0x90000046  }
0xb6: {  	s29 =	simm.s32 $0x9;
	_ =	strace $0x80000048  }
0xb7: {  	_ =	swait.ge [sflag:s29], $0x1  }
0xb8: {  	[sflag:s29] =	ssyncadd.s32 $0xFFFFFFFF  }
0xb9: {  	_ =	strace $0x90000048  }
0xba: {  	_ =	sfence  }
0xbb: {  	s30 =	sld [smem:$0x0];
	_ =	sdelay $0x2  }
0xbc: {  	s31 =	sshll.u32 s1, $0xD;
	s1 =	sshrl.u32 s1, $0x2  }
0xbd: {  	s3 =	sand.u32 $0x4000, s31;
	s1 =	sadd.s32 s1, s30  }
0xbe: {  	s0 =	sor.u32 s3, s0;
	s1 =	sshll.u32 s1, $0x11  }
0xbf: {  	s0 =	sor.u32 s1, s0  }
0xc0: {  	s0 =	sadd.s32 $0x8F2B, s0  }
0xc1: {  	[sflag:s0] =	ssyncadd.remote.s32 $0x1  }
0xc2: {  	_ =	sfence.sel $0xFFFF  }
0xc3: {  	[dreg:$0x0] =	wrdreg $0xFFFFFFFF;
	(pc) =	sbr.abs _section_cstart, $3  }
0xc4: {  	[dreg:$0x1] =	wrdreg $0xFFFFFFFF  }
0xc5: {  	_ =	task.clear_ibuf [dreg:s8], $0x2FFFF;
	_ =	strace $0x9FFFFFFF  }
0xc6: {  	(tm) =	ssettm $0x7FFFFFFF  }
0xc7: {  	_ =	shalt  }
tec
execute0_lowered:
.L_overlay_start_1:
0x0: {  	(tag) =	ssettag $0x1  }
0x1: {  	s0 =	srdreg.scid;
	s21 =	stileid.u32  }
0x2: {  	s9 =	sand.u32 $0x1, s0;
	s4 =	smul.u32 $0x2800, s21  }
0x3: {  	s1 =	smul.u32 $0x500, s9  }
0x4: {  	s8 =	sor.u32 $0x10, s21;
	s15 =	smul.u32 $0x138800, s9  }
0x5: {  	s7 =	sor.u32 $0x20, s21;
	s16 =	smul.u32 $0x2800, s8  }
0x6: {  	s6 =	sor.u32 $0x30, s21;
	s17 =	smul.u32 $0x2800, s7  }
0x7: {  	s5 =	sor.u32 $0x40, s21;
	s19 =	smul.u32 $0x2800, s6  }
0x8: {  	s29 =	smul.u32 $0x2800, s5  }
0x9: {  	s10 =	rddreg [dreg:$0x0];
	s8 =	smul.u32 $0xA000, s8  }
0xa: {  	s2 =	rddreg [dreg:$0x2];
	s0 =	sshll.u32 s9, $0x4;
	s7 =	smul.u32 $0xA000, s7  }
0xb: {  	s28 =	rddreg [dreg:$0x4];
	s5 =	smul.u32 $0xA000, s5;
	s0 =	sor.u32 s21, s0  }
0xc: {  	s12 =	sadd.s32 $0x1400, s2;
	s3 =	ssub.s32 $0x2, s9;
	s11 =	smul.u32 $0x2710, s0  }
0xd: {  	s25 =	sshrl.u32 s3, $0x1;
	s13 =	smul.u32 $0x27100, s0;
	s2 =	sadd.s32 s1, s2  }
0xe: {  	s14 =	smul.u32 $0x138800, s0;
	s3 =	ssub.s32 s3, s25;
	s1 =	sor.u32 $0x50, s21  }
0xf: {  	s0 =	sor.u32 $0x60, s21;
	s4 =	sadd.s32 s15, s4;
	s16 =	sadd.s32 s15, s16  }
0x10: {  	s17 =	sadd.s32 s15, s17;
	s26 =	sadd.s32 s15, s19;
	s25 =	smul.u32 $0x27100, s9  }
0x11: {  	s9 =	smul.u32 $0x271000, s9;
	s18 =	sshrl.u32 s4, $0x3;
	s4 =	sor.u32 $0x70, s21  }
0x12: {  	s16 =	sshrl.u32 s16, $0x3;
	s17 =	sshrl.u32 s17, $0x3;
	s20 =	smul.u32 $0x2800, s1  }
0x13: {  	s2 =	sadd.s32 $0xA00, s2;
	s3 =	smax.u32 s3, $0x1;
	s1 =	smul.u32 $0xA000, s1  }
0x14: {  	s18 =	sadd.s32 s12, s18;
	s16 =	sadd.s32 s12, s16;
	s31 =	sadd.s32 s12, s17  }
0x15: {  	s22 =	smul.u32 $0x2800, s4;
	s14 =	sshrl.u32 s14, $0x3;
	s13 =	sadd.s32 s10, s13  }
0x16: {  	s9 =	sadd.s32 s9, s10;
	s11 =	sshrl.u32 s11, $0x3;
	p0 =	sgt.u32 s4, $0x7C  }
0x17: {  	p1 =	slt.u32 s4, $0x7D;
	s4 =	smul.u32 $0xA000, s4;
	[dreg:$0x6] =	wrdreg s18  }
0x18: {  	[dreg:$0x7] =	wrdreg s16;
	s19 =	sadd.s32 s15, s20;
	s20 =	smul.u32 $0x2800, s0  }
0x19: {  	s18 =	sshrl.u32 s26, $0x3;
	[dreg:$0x8] =	wrdreg s31;
	s26 =	smul.u32 $0x2710, s21  }
0x1a: {  	[dreg:$0xe] =	wrdreg s13;
	s14 =	sadd.s32 s10, s14;
	s10 =	simm.s32 $0x0  }
0x1b: {  	s0 =	smul.u32 $0xA000, s0;
	s1 =	sshrl.u32 s1, $0x2;
	p2 =	sne.s32 @!p0 s21, $0x0  }
0x1c: {  	s17 =	sadd.s32 s12, s18;
	s18 =	sadd.s32 s15, s29;
	s29 =	rddreg [dreg:$0x1]  }
0x1d: {  	p3 =	sne.s32 @p1 s21, $0x0;
	[smem:$0x7FF] =	sst s10;
	p2 =	por p2, p0  }
0x1e: {  	p3 =	por p3, !p1;
	[dreg:$0x9] =	wrdreg s17;
	s16 =	sshrl.u32 s18, $0x3  }
0x1f: {  	s17 =	sshrl.u32 s19, $0x3;
	s24 =	sadd.s32 s15, s20;
	s15 =	sadd.s32 s15, s22  }
0x20: {  	s31 =	sadd.s32 s26, s25;
	s19 =	sadd.s32 s29, s11;
	s0 =	sshrl.u32 s0, $0x2  }
0x21: {  	s16 =	sadd.s32 s12, s16;
	s23 =	sadd.s32 s12, s17;
	s15 =	sshrl.u32 s15, $0x3  }
0x22: {  	s17 =	smul.u32 $0x27100, s21;
	s18 =	sadd.s32 $0x4E390, s31;
	s20 =	sadd.s32 $0x4E3E0, s31  }
0x23: {  	s25 =	sadd.s32 $0x9C54, s19;
	s26 =	sadd.s32 $0x9C5E, s19;
	[dreg:$0xa] =	wrdreg s16  }
0x24: {  	[dreg:$0xb] =	wrdreg s23;
	s16 =	sshrl.u32 s24, $0x3;
	s13 =	sshrl.u32 s18, $0x3  }
0x25: {  	s23 =	sadd.s32 $0x9C40, s19;
	s24 =	sadd.s32 $0x9C4A, s19;
	s18 =	sadd.s32 $0xA00, s14  }
0x26: {  	s16 =	sadd.s32 s12, s16;
	s11 =	sadd.s32 s13, s29;
	s13 =	rddreg [dreg:$0x3]  }
0x27: {  	s12 =	sadd.s32 s12, s15;
	s9 =	sadd.s32 s17, s9;
	[dreg:$0xc] =	wrdreg s16  }
0x28: {  	s15 =	sadd.s32 $0x4E340, s31;
	s31 =	smul.u32 $0xA000, s21;
	[dreg:$0xd] =	wrdreg s12  }
0x29: {  	s17 =	simm.s32 $0x7900;
	_ =	strace $0x80000047;
	[dreg:$0xf] =	wrdreg s23  }
0x2a: {  	s21 =	simm.s32 $0x3;
	s16 =	sshrl.u32 s20, $0x3;
	[dreg:$0x10] =	wrdreg s24  }
0x2b: {  	s22 =	sshrl.u32 s15, $0x3;
	s20 =	smul.u32 $0xA000, s6;
	[dreg:$0x11] =	wrdreg s25  }
0x2c: {  	s12 =	sadd.s32 s1, s13;
	s0 =	sadd.s32 s0, s13;
	[dreg:$0x12] =	wrdreg s26  }
0x2d: {  	s6 =	simm.s32 $0x7980;
	s15 =	sadd.s32 s16, s29;
	[dreg:$0x14] =	wrdreg s18  }
0x2e: {  	s16 =	sadd.s32 s22, s29;
	s29 =	sadd.s32 $0x500, s14;
	[dreg:$0x16] =	wrdreg s2  }
0x2f: {  	s14 =	sadd.s32 $0xF00, s14;
	s19 =	sshrl.u32 s31, $0x2;
	[dreg:$0x17] =	wrdreg s3  }
0x30: {  	s22 =	sshrl.u32 s8, $0x2;
	s23 =	sshrl.u32 s7, $0x2;
	s25 =	sshrl.u32 s5, $0x2  }
0x31: {  	s31 =	sadd.s32 $0x1400, s9;
	s5 =	simm.s32 $0x2800;
	s7 =	simm.s32 $0x7  }
0x32: {  	s8 =	simm.s32 $0x1;
	s9 =	simm.s32 $0x50;
	[dreg:$0x13] =	wrdreg s29  }
0x33: {  	s18 =	simm.s32 $0x5000;
	[dreg:$0x15] =	wrdreg s14;
	s30 =	sadd.s32 s19, s13  }
0x34: {  	s3 =	sadd.s32 s22, s13;
	s24 =	sadd.s32 s23, s13;
	s2 =	sshrl.u32 s20, $0x2  }
0x35: {  	s26 =	sadd.s32 s25, s13;
	s29 =	sshrl.u32 s4, $0x2;
	[dreg:$0x1c] =	wrdreg s31  }
.Ltmp0:
0x36: {  	s4 =	simm.s32 $0x7880;
	s19 =	simm.s32 $0x2;
	(pc) =	sbr.rel .LBB2_1-.Ltmp0, $4  }
0x37: {  	s20 =	simm.s32 $0x4;
	s22 =	simm.s32 $0x5;
	[dreg:$0x18] =	wrdreg s3  }
0x38: {  	v0 =	vlaneseq.u32;
	s23 =	simm.s32 $0x6;
	s25 =	simm.s32 $0x0;
	[dreg:$0x19] =	wrdreg s24  }
0x39: {  	v1 =	vimm.f32 $0.0e+00;
	v6 =	vimm.f32 $1.000000000e+00;
	v2 =	vor.u32 $0x10, v0;
	s2 =	sadd.s32 s2, s13;
	[dreg:$0x1b] =	wrdreg s26;
	s1 =	sadd.s32 s29, s13  }
0x3a: {  	v3 =	vor.u32 $0x20, v0;
	v4 =	vor.u32 $0x30, v0;
	v5 =	vor.u32 $0x40, v0;
	s3 =	simm.s32 $0x7800;
	s24 =	simm.s32 $0x8;
	[dreg:$0x1a] =	wrdreg s2  }
.LBB2_6:
0x3b: {  	_ =	swait.ge [sflag:s22], $0x2800  }
0x3c: {  	[sflag:s22] =	ssyncset.done $0x0  }
0x3d: {  	[sflag:s22] =	ssyncadd.s32 $0xFFFFD800  }
0x3e: {  	s2 =	simm.s32 $0xA180;
	[bflag:$0x0] =	sbarrier.arrive $0xFFFF  }
0x3f: {  	[spmem:s30] =	stream.indirect.scatter.add.f32 [tilespmem:s6], [sflag:$0x7], $0x80, s2, s9, $0xb8;
	[tilespmem:$0x1DD00] =	vst v63  }
0x40: {  	_ =	swait.ge [sflag:s7], $0x2800  }
0x41: {  	[sflag:s7] =	ssyncset.done $0x0  }
0x42: {  	[sflag:s7] =	ssyncadd.s32 $0xFFFFD800  }
0x43: {  	[tilespmem:s6], [sflag:$0x8] =	stream.linear.gather [spmem:s31], $0x2800, $0x38;
	[tilespmem:$0x1DD00] =	vst v63  }
0x44: {  	_ =	swait.ge [sflag:s24], $0x2800  }
0x45: {  	[sflag:s24] =	ssyncset.done $0x0  }
0x46: {  	s14 =	rddreg [dreg:$0x6];
	[sflag:s24] =	ssyncadd.s32 $0xFFFFD800  }
0x47: {  	[hbm4b:s14+s10] =	stream.linear.scatter [tilespmem:s6], [sflag:$0x7], $0x2800, $0x38;
	[tilespmem:$0x1DD00] =	vst v63  }
0x48: {  	_ =	swait.ge [sflag:s7], $0x2800  }
0x49: {  	[sflag:s7] =	ssyncset.done $0x0  }
0x4a: {  	s26 =	rddreg [dreg:$0x18];
	[sflag:s7] =	ssyncadd.s32 $0xFFFFD800  }
0x4b: {  	[tilespmem:s6], [sflag:$0x8] =	stream.linear.gather [spmem:s26], $0x2800, $0x38;
	[tilespmem:$0x1DD00] =	vst v63  }
0x4c: {  	_ =	swait.ge [sflag:s24], $0x2800  }
0x4d: {  	[sflag:s24] =	ssyncset.done $0x0  }
0x4e: {  	s29 =	rddreg [dreg:$0x7];
	[sflag:s24] =	ssyncadd.s32 $0xFFFFD800  }
0x4f: {  	[hbm4b:s29+s10] =	stream.linear.scatter [tilespmem:s6], [sflag:$0x7], $0x2800, $0x38;
	[tilespmem:$0x1DD00] =	vst v63  }
0x50: {  	_ =	swait.ge [sflag:s7], $0x2800  }
0x51: {  	s28 =	smov.u32 s30;
	[sflag:s7] =	ssyncset.done $0x0  }
0x52: {  	s30 =	smov.u32 s31;
	s31 =	rddreg [dreg:$0x19];
	[sflag:s7] =	ssyncadd.s32 $0xFFFFD800  }
0x53: {  	[tilespmem:s6], [sflag:$0x8] =	stream.linear.gather [spmem:s31], $0x2800, $0x38;
	[tilespmem:$0x1DD00] =	vst v63  }
0x54: {  	_ =	swait.ge [sflag:s24], $0x2800  }
0x55: {  	[sflag:s24] =	ssyncset.done $0x0  }
0x56: {  	s14 =	rddreg [dreg:$0x8];
	[sflag:s24] =	ssyncadd.s32 $0xFFFFD800  }
0x57: {  	[hbm4b:s14+s10] =	stream.linear.scatter [tilespmem:s6], [sflag:$0x7], $0x2800, $0x38;
	[tilespmem:$0x1DD00] =	vst v63  }
0x58: {  	_ =	swait.ge [sflag:s7], $0x2800  }
0x59: {  	[sflag:s7] =	ssyncset.done $0x0  }
0x5a: {  	s26 =	rddreg [dreg:$0x1a];
	[sflag:s7] =	ssyncadd.s32 $0xFFFFD800  }
0x5b: {  	[tilespmem:s6], [sflag:$0x8] =	stream.linear.gather [spmem:s26], $0x2800, $0x38;
	[tilespmem:$0x1DD00] =	vst v63  }
0x5c: {  	_ =	swait.ge [sflag:s24], $0x2800  }
0x5d: {  	[sflag:s24] =	ssyncset.done $0x0  }
0x5e: {  	s29 =	rddreg [dreg:$0x9];
	[sflag:s24] =	ssyncadd.s32 $0xFFFFD800  }
0x5f: {  	[hbm4b:s29+s10] =	stream.linear.scatter [tilespmem:s6], [sflag:$0x7], $0x2800, $0x38;
	[tilespmem:$0x1DD00] =	vst v63  }
0x60: {  	_ =	swait.ge [sflag:s7], $0x2800  }
0x61: {  	[sflag:s7] =	ssyncset.done $0x0  }
0x62: {  	s31 =	rddreg [dreg:$0x1b];
	[sflag:s7] =	ssyncadd.s32 $0xFFFFD800  }
0x63: {  	[tilespmem:s6], [sflag:$0x8] =	stream.linear.gather [spmem:s31], $0x2800, $0x38;
	[tilespmem:$0x1DD00] =	vst v63  }
0x64: {  	_ =	swait.ge [sflag:s24], $0x2800  }
0x65: {  	[sflag:s24] =	ssyncset.done $0x0  }
0x66: {  	s14 =	rddreg [dreg:$0xa];
	[sflag:s24] =	ssyncadd.s32 $0xFFFFD800  }
0x67: {  	[hbm4b:s14+s10] =	stream.linear.scatter [tilespmem:s6], [sflag:$0x7], $0x2800, $0x38;
	[tilespmem:$0x1DD00] =	vst v63  }
0x68: {  	_ =	swait.ge [sflag:s7], $0x2800  }
0x69: {  	[sflag:s7] =	ssyncset.done $0x0  }
0x6a: {  	[sflag:s7] =	ssyncadd.s32 $0xFFFFD800  }
0x6b: {  	[tilespmem:s6], [sflag:$0x8] =	stream.linear.gather [spmem:s12], $0x2800, $0x38;
	[tilespmem:$0x1DD00] =	vst v63  }
0x6c: {  	_ =	swait.ge [sflag:s24], $0x2800  }
0x6d: {  	[sflag:s24] =	ssyncset.done $0x0  }
0x6e: {  	s26 =	rddreg [dreg:$0xb];
	[sflag:s24] =	ssyncadd.s32 $0xFFFFD800  }
0x6f: {  	[hbm4b:s26+s10] =	stream.linear.scatter [tilespmem:s6], [sflag:$0x7], $0x2800, $0x38;
	[tilespmem:$0x1DD00] =	vst v63  }
0x70: {  	_ =	swait.ge [sflag:s7], $0x2800  }
0x71: {  	[sflag:s7] =	ssyncset.done $0x0  }
0x72: {  	[sflag:s7] =	ssyncadd.s32 $0xFFFFD800  }
0x73: {  	[tilespmem:s6], [sflag:$0x8] =	stream.linear.gather [spmem:s0], $0x2800, $0x38;
	[tilespmem:$0x1DD00] =	vst v63  }
0x74: {  	_ =	swait.ge [sflag:s24], $0x2800  }
0x75: {  	[sflag:s24] =	ssyncset.done $0x0  }
0x76: {  	s29 =	rddreg [dreg:$0xc];
	[sflag:s24] =	ssyncadd.s32 $0xFFFFD800  }
0x77: {  	[hbm4b:s29+s10] =	stream.linear.scatter [tilespmem:s6], [sflag:$0x7], $0x2800, $0x38;
	[tilespmem:$0x1DD00] =	vst v63  }
0x78: {  	_ =	swait.ge [sflag:s7], $0x2800  }
0x79: {  	[sflag:s7] =	ssyncset.done $0x0  }
0x7a: {  	s2 =	simm.s32 @p1 $0x7980;
	s14 =	simm.s32 @p1 $0x8;
	[sflag:s7] =	ssyncadd.s32 $0xFFFFD800  }
0x7b: {  	[tilespmem:s2], [sflag:$0x8] =	stream.linear.gather @p1 [spmem:s1], $0x2800, $0x38;
	[tilespmem:$0x1DD00] =	vst v63  }
0x7c: {  	_ =	swait.ge @p1 [sflag:s14], $0x2800  }
0x7d: {  	[sflag:s14] =	ssyncset.done @p1 $0x0  }
0x7e: {  	s26 =	rddreg [dreg:$0xd];
	[sflag:s14] =	ssyncadd.s32 @p1 $0xFFFFD800;
	s14 =	simm.s32 @p1 $0x0  }
0x7f: {  	[hbm4b:s26+s14] =	stream.linear.scatter @p1 [tilespmem:s2], [sflag:$0x7], $0x2800, $0x38;
	[tilespmem:$0x1DD00] =	vst v63  }
0x80: {  	s2 =	simm.s32 @p1 $0x7  }
0x81: {  	_ =	swait.ge @p1 [sflag:s2], $0x2800  }
0x82: {  	[sflag:s2] =	ssyncset.done @p1 $0x0  }
0x83: {  	[sflag:s2] =	ssyncadd.s32 @p1 $0xFFFFD800  }
0x84: {  	s14 =	simm.s32 @!p3 $0x7;
	s2 =	simm.s32 @!p3 $0x7980;
	[bflag:$0x0] =	sbarrier.arrive @p1 $0xFFFF  }
0x85: {  	[tilespmem:s2], [sflag:$0x7] =	stream.linear.gather @!p3 [spmem:s28], $0x2800, $0x38;
	[tilespmem:$0x1DD00] =	vst v63  }
0x86: {  	_ =	swait.ge @!p3 [sflag:s14], $0x2800  }
0x87: {  	[sflag:s14] =	ssyncset.done @!p3 $0x0  }
0x88: {  	s26 =	simm.s32 @!p3 $0x0;
	s29 =	rddreg [dreg:$0x16];
	[sflag:s14] =	ssyncadd.s32 @!p3 $0xFFFFD800  }
0x89: {  	[hbm4b:s29+s26] =	stream.linear.scatter @!p3 [tilespmem:s2], [sflag:$0x7], $0x2800, $0x38;
	[tilespmem:$0x1DD00] =	vst v63  }
0x8a: {  	_ =	swait.ge @!p3 [sflag:s14], $0x2800  }
0x8b: {  	s25 =	sadd.s32 $0x1, s25;
	s31 =	rddreg [dreg:$0x17]  }
0x8c: {  	p4 =	sne.s32 s25, s31  }
.Ltmp1:
0x8d: {  	_ = 	snop;
	(pc) =	sbr.rel @!p4 .LBB2_7-.Ltmp1, $3  }
0x8e: {  	[sflag:s14] =	ssyncset.done @!p3 $0x0  }
0x8f: {  	[sflag:s14] =	ssyncadd.s32 @!p3 $0xFFFFD800  }
0x90: {  	[bflag:$0x0] =	sbarrier.arrive @!p1 $0xFFFF;
	_ =	sdelay $0x1  }
.LBB2_1:
0x91: {  	s2 =	rddreg [dreg:$0xf]  }
0x92: {  	[tilespmem:s3], [sflag:$0x1] =	stream.linear.gather [hbm4b:s2+s10], $0x50, $0x38;
	[tilespmem:$0x1DD00] =	vst v63  }
0x93: {  	s26 =	rddreg [dreg:$0xe]  }
0x94: {  	[tilespmem:s10], [sflag:$0x1] =	stream.linear.gather [hbm4b:s26+s10], $0x2800, $0x38;
	[tilespmem:$0x1DD00] =	vst v63  }
0x95: {  	s29 =	rddreg [dreg:$0x10]  }
0x96: {  	[tilespmem:s4], [sflag:$0x2] =	stream.linear.gather [hbm4b:s29+s10], $0x50, $0x38;
	[tilespmem:$0x1DD00] =	vst v63  }
0x97: {  	s31 =	rddreg [dreg:$0x13];
	s14 =	simm.s32 $0x200;
	s2 =	simm.s32 $0x0  }
0x98: {  	[tilespmem:s5], [sflag:$0x2] =	stream.linear.gather [hbm4b:s31+s10], $0x2800, $0x38;
	[tilespmem:$0x1DD00] =	vst v63  }
.LBB2_2:
0x99: {  	p4 =	sne.s32 s14, $0x9E00;
	[tilespmem:s2+$0x79F0] =	vst v1  }
0x9a: {  	[tilespmem:s2+$0x7980] =	vst v1  }
0x9b: {  	[tilespmem:s2+$0x7990] =	vst v1  }
.Ltmp2:
0x9c: {  	[tilespmem:s2+$0x79A0] =	vst v1;
	(pc) =	sbr.rel @p4 .LBB2_2-.Ltmp2, $4  }
0x9d: {  	[tilespmem:s2+$0x79B0] =	vst v1  }
0x9e: {  	[tilespmem:s2+$0x79C0] =	vst v1  }
0x9f: {  	[tilespmem:s2+$0x79D0] =	vst v1  }
0xa0: {  	[tilespmem:s2+$0x79E0] =	vst v1;
	s2 =	sshra.s32 s14, $0x2;
	s14 =	sadd.s32 $0x200, s14  }
0xa1: {  	[tilespmem:s2+$0x79F0] =	vst v1  }
0xa2: {  	[tilespmem:s2+$0x7980] =	vst v1  }
0xa3: {  	[tilespmem:s2+$0x7990] =	vst v1  }
0xa4: {  	[tilespmem:s2+$0x79A0] =	vst v1  }
0xa5: {  	[tilespmem:s2+$0x79B0] =	vst v1  }
0xa6: {  	[tilespmem:s2+$0x79C0] =	vst v1  }
0xa7: {  	[tilespmem:s2+$0x79D0] =	vst v1  }
0xa8: {  	[tilespmem:s2+$0x79E0] =	vst v1  }
0xa9: {  	[tilespmem:$0xA180] =	vst v0  }
0xaa: {  	[tilespmem:$0xA190] =	vst v2  }
0xab: {  	[tilespmem:$0xA1A0] =	vst v3  }
0xac: {  	[tilespmem:$0xA1B0] =	vst v4  }
0xad: {  	[tilespmem:$0xA1C0] =	vst v5  }
0xae: {  	[spmem:s30] =	stream.linear.scatter [tilespmem:s6], [sflag:$0x7], $0x2800, $0x38;
	[tilespmem:$0x1DD00] =	vst v63  }
0xaf: {  	_ =	swait.ge [sflag:s7], $0x2800  }
0xb0: {  	[sflag:s7] =	ssyncset.done $0x0  }
0xb1: {  	s14 =	rddreg [dreg:$0x18];
	[sflag:s7] =	ssyncadd.s32 $0xFFFFD800  }
0xb2: {  	[spmem:s14] =	stream.linear.scatter [tilespmem:s6], [sflag:$0x7], $0x2800, $0x38;
	[tilespmem:$0x1DD00] =	vst v63  }
0xb3: {  	_ =	swait.ge [sflag:s7], $0x2800  }
0xb4: {  	[sflag:s7] =	ssyncset.done $0x0  }
0xb5: {  	s26 =	rddreg [dreg:$0x19];
	[sflag:s7] =	ssyncadd.s32 $0xFFFFD800  }
0xb6: {  	[spmem:s26] =	stream.linear.scatter [tilespmem:s6], [sflag:$0x7], $0x2800, $0x38;
	[tilespmem:$0x1DD00] =	vst v63  }
0xb7: {  	_ =	swait.ge [sflag:s7], $0x2800  }
0xb8: {  	[sflag:s7] =	ssyncset.done $0x0  }
0xb9: {  	s29 =	rddreg [dreg:$0x1a];
	[sflag:s7] =	ssyncadd.s32 $0xFFFFD800  }
0xba: {  	[spmem:s29] =	stream.linear.scatter [tilespmem:s6], [sflag:$0x7], $0x2800, $0x38;
	[tilespmem:$0x1DD00] =	vst v63  }
0xbb: {  	_ =	swait.ge [sflag:s7], $0x2800  }
0xbc: {  	[sflag:s7] =	ssyncset.done $0x0  }
0xbd: {  	s14 =	rddreg [dreg:$0x1b];
	[sflag:s7] =	ssyncadd.s32 $0xFFFFD800  }
0xbe: {  	[spmem:s14] =	stream.linear.scatter [tilespmem:s6], [sflag:$0x7], $0x2800, $0x38;
	[tilespmem:$0x1DD00] =	vst v63  }
0xbf: {  	_ =	swait.ge [sflag:s7], $0x2800  }
0xc0: {  	[sflag:s7] =	ssyncset.done $0x0  }
0xc1: {  	[sflag:s7] =	ssyncadd.s32 $0xFFFFD800  }
0xc2: {  	[spmem:s12] =	stream.linear.scatter [tilespmem:s6], [sflag:$0x7], $0x2800, $0x38;
	[tilespmem:$0x1DD00] =	vst v63  }
0xc3: {  	_ =	swait.ge [sflag:s7], $0x2800  }
0xc4: {  	[sflag:s7] =	ssyncset.done $0x0  }
0xc5: {  	[sflag:s7] =	ssyncadd.s32 $0xFFFFD800  }
0xc6: {  	[spmem:s0] =	stream.linear.scatter [tilespmem:s6], [sflag:$0x7], $0x2800, $0x38;
	[tilespmem:$0x1DD00] =	vst v63  }
0xc7: {  	_ =	swait.ge [sflag:s7], $0x2800  }
0xc8: {  	[sflag:s7] =	ssyncset.done $0x0  }
0xc9: {  	s2 =	simm.s32 @!p0 $0x7980;
	[sflag:s7] =	ssyncadd.s32 $0xFFFFD800  }
0xca: {  	[spmem:s1] =	stream.linear.scatter @!p0 [tilespmem:s2], [sflag:$0x7], $0x2800, $0x38;
	[tilespmem:$0x1DD00] =	vst v63  }
0xcb: {  	s2 =	simm.s32 @!p0 $0x7  }
0xcc: {  	_ =	swait.ge @!p0 [sflag:s2], $0x2800  }
0xcd: {  	[sflag:s2] =	ssyncset.done @!p0 $0x0  }
0xce: {  	[sflag:s2] =	ssyncadd.s32 @!p0 $0xFFFFD800;
	s2 =	simm.s32 @!p2 $0x7980  }
0xcf: {  	[spmem:s28] =	stream.linear.scatter @!p2 [tilespmem:s2], [sflag:$0x7], $0x2800, $0x38;
	[tilespmem:$0x1DD00] =	vst v63  }
0xd0: {  	s2 =	simm.s32 @!p2 $0x7  }
0xd1: {  	_ =	swait.ge @!p2 [sflag:s2], $0x2800  }
0xd2: {  	[sflag:s2] =	ssyncset.done @!p2 $0x0  }
0xd3: {  	[sflag:s2] =	ssyncadd.s32 @!p2 $0xFFFFD800  }
0xd4: {  	[bflag:$0x0] =	sbarrier.arrive $0xFFFF  }
0xd5: {  	_ =	swait.ge [sflag:s8], $0x50  }
0xd6: {  	[sflag:s8] =	ssyncset.done $0x0  }
0xd7: {  	[sflag:s8] =	ssyncadd.s32 $0xFFFFFFB0  }
0xd8: {  	_ =	swait.ge [sflag:s8], $0x2800  }
0xd9: {  	[sflag:s8] =	ssyncset.done $0x0  }
0xda: {  	s2 =	simm.s32 $0x0;
	[sflag:s8] =	ssyncadd.s32 $0xFFFFD800  }
0xdb: {  	[spmem:s13] =	stream.indirect.scatter.add.f32 [tilespmem:s2], [sflag:$0x4], $0x80, s3, s9, $0xb8;
	[tilespmem:$0x1DD00] =	vst v63  }
0xdc: {  	v7 =	vld [tilespmem:$0x7800];
	_ =	sdelay $0x7  }
0xdd: {  	[tilespmem:v7+s6+$0x0] =	vst.idx.add.f32.msk $0xffff, v6  }
0xde: {  	v7 =	vld [tilespmem:$0x7810];
	_ =	sdelay $0x7  }
0xdf: {  	[tilespmem:v7+s6+$0x0] =	vst.idx.add.f32.msk $0xffff, v6  }
0xe0: {  	v7 =	vld [tilespmem:$0x7820];
	_ =	sdelay $0x7  }
0xe1: {  	[tilespmem:v7+s6+$0x0] =	vst.idx.add.f32.msk $0xffff, v6  }
0xe2: {  	v7 =	vld [tilespmem:$0x7830];
	_ =	sdelay $0x7  }
0xe3: {  	[tilespmem:v7+s6+$0x0] =	vst.idx.add.f32.msk $0xffff, v6  }
0xe4: {  	v7 =	vld [tilespmem:$0x7840];
	_ =	sdelay $0x7  }
0xe5: {  	s14 =	rddreg [dreg:$0x11];
	[tilespmem:v7+s6+$0x0] =	vst.idx.add.f32.msk $0xffff, v6  }
0xe6: {  	[tilespmem:s17], [sflag:$0x3] =	stream.linear.gather [hbm4b:s14+s2], $0x50, $0x38;
	[tilespmem:$0x1DD00] =	vst v63  }
0xe7: {  	s26 =	rddreg [dreg:$0x14]  }
0xe8: {  	[tilespmem:s18], [sflag:$0x3] =	stream.linear.gather [hbm4b:s26+s2], $0x2800, $0x38;
	[tilespmem:$0x1DD00] =	vst v63  }
0xe9: {  	_ =	swait.ge [sflag:s19], $0x50  }
0xea: {  	[sflag:s19] =	ssyncset.done $0x0  }
0xeb: {  	[sflag:s19] =	ssyncadd.s32 $0xFFFFFFB0  }
0xec: {  	_ =	swait.ge [sflag:s19], $0x2800  }
0xed: {  	[sflag:s19] =	ssyncset.done $0x0  }
0xee: {  	[sflag:s19] =	ssyncadd.s32 $0xFFFFD800  }
0xef: {  	[spmem:s13] =	stream.indirect.scatter.add.f32 [tilespmem:s5], [sflag:$0x5], $0x80, s4, s9, $0xb8;
	[tilespmem:$0x1DD00] =	vst v63  }
0xf0: {  	v7 =	vld [tilespmem:$0x7880];
	_ =	sdelay $0x7  }
0xf1: {  	[tilespmem:v7+s6+$0x0] =	vst.idx.add.f32.msk $0xffff, v6  }
0xf2: {  	v7 =	vld [tilespmem:$0x7890];
	_ =	sdelay $0x7  }
0xf3: {  	[tilespmem:v7+s6+$0x0] =	vst.idx.add.f32.msk $0xffff, v6  }
0xf4: {  	v7 =	vld [tilespmem:$0x78A0];
	_ =	sdelay $0x7  }
0xf5: {  	[tilespmem:v7+s6+$0x0] =	vst.idx.add.f32.msk $0xffff, v6  }
0xf6: {  	v7 =	vld [tilespmem:$0x78B0];
	_ =	sdelay $0x7  }
0xf7: {  	[tilespmem:v7+s6+$0x0] =	vst.idx.add.f32.msk $0xffff, v6  }
0xf8: {  	v7 =	vld [tilespmem:$0x78C0];
	_ =	sdelay $0x7  }
0xf9: {  	[tilespmem:v7+s6+$0x0] =	vst.idx.add.f32.msk $0xffff, v6  }
0xfa: {  	s31 =	smov.u32 s30;
	_ =	swait.ge [sflag:s20], $0x2800  }
0xfb: {  	s30 =	smov.u32 s28;
	[sflag:s20] =	ssyncset.done $0x0;
	s28 =	rddreg [dreg:$0x12]  }
0xfc: {  	s29 =	rddreg [dreg:$0x15];
	[sflag:s20] =	ssyncadd.s32 $0xFFFFD800  }
0xfd: {  	[tilespmem:s3], [sflag:$0x1] =	stream.linear.gather [hbm4b:s28+s2], $0x50, $0x38;
	[tilespmem:$0x1DD00] =	vst v63  }
0xfe: {  	s14 =	rddreg [dreg:$0x1c]  }
0xff: {  	[tilespmem:s2], [sflag:$0x1] =	stream.linear.gather [hbm4b:s29+s2], $0x2800, $0x38;
	[tilespmem:$0x1DD00] =	vst v63  }
.LBB2_4:
0x100: {  	_ =	swait.ge [sflag:s21], $0x50  }
0x101: {  	[sflag:s21] =	ssyncset.done $0x0  }
0x102: {  	[sflag:s21] =	ssyncadd.s32 $0xFFFFFFB0  }
0x103: {  	_ =	swait.ge [sflag:s21], $0x2800  }
0x104: {  	[sflag:s21] =	ssyncset.done $0x0  }
0x105: {  	[sflag:s21] =	ssyncadd.s32 $0xFFFFD800  }
0x106: {  	[spmem:s13] =	stream.indirect.scatter.add.f32 [tilespmem:s18], [sflag:$0x6], $0x80, s17, s9, $0xb8;
	[tilespmem:$0x1DD00] =	vst v63  }
0x107: {  	v7 =	vld [tilespmem:$0x7900];
	_ =	sdelay $0x7  }
0x108: {  	[tilespmem:v7+s6+$0x0] =	vst.idx.add.f32.msk $0xffff, v6  }
0x109: {  	v7 =	vld [tilespmem:$0x7910];
	_ =	sdelay $0x7  }
0x10a: {  	[tilespmem:v7+s6+$0x0] =	vst.idx.add.f32.msk $0xffff, v6  }
0x10b: {  	v7 =	vld [tilespmem:$0x7920];
	_ =	sdelay $0x7  }
0x10c: {  	[tilespmem:v7+s6+$0x0] =	vst.idx.add.f32.msk $0xffff, v6  }
0x10d: {  	v7 =	vld [tilespmem:$0x7930];
	_ =	sdelay $0x7  }
0x10e: {  	[tilespmem:v7+s6+$0x0] =	vst.idx.add.f32.msk $0xffff, v6  }
0x10f: {  	v7 =	vld [tilespmem:$0x7940];
	_ =	sdelay $0x7  }
0x110: {  	[tilespmem:v7+s6+$0x0] =	vst.idx.add.f32.msk $0xffff, v6  }
0x111: {  	_ =	swait.ge [sflag:s22], $0x2800  }
0x112: {  	[sflag:s22] =	ssyncset.done $0x0  }
0x113: {  	s26 =	sadd.s32 s2, s16;
	[sflag:s22] =	ssyncadd.s32 $0xFFFFD800  }
0x114: {  	[tilespmem:s4], [sflag:$0x2] =	stream.linear.gather [hbm4b:s26+s10], $0x50, $0x38;
	[tilespmem:$0x1DD00] =	vst v63  }
0x115: {  	_ = 	snop  }
0x116: {  	[tilespmem:s5], [sflag:$0x2] =	stream.linear.gather [hbm4b:s14+s10], $0x2800, $0x38;
	[tilespmem:$0x1DD00] =	vst v63  }
0x117: {  	_ =	swait.ge [sflag:s8], $0x50  }
0x118: {  	[sflag:s8] =	ssyncset.done $0x0  }
0x119: {  	[sflag:s8] =	ssyncadd.s32 $0xFFFFFFB0  }
0x11a: {  	_ =	swait.ge [sflag:s8], $0x2800  }
0x11b: {  	[sflag:s8] =	ssyncset.done $0x0  }
0x11c: {  	[sflag:s8] =	ssyncadd.s32 $0xFFFFD800  }
0x11d: {  	[spmem:s13] =	stream.indirect.scatter.add.f32 [tilespmem:s10], [sflag:$0x4], $0x80, s3, s9, $0xb8;
	[tilespmem:$0x1DD00] =	vst v63  }
0x11e: {  	v7 =	vld [tilespmem:$0x7800];
	_ =	sdelay $0x7  }
0x11f: {  	[tilespmem:v7+s6+$0x0] =	vst.idx.add.f32.msk $0xffff, v6  }
0x120: {  	v7 =	vld [tilespmem:$0x7810];
	_ =	sdelay $0x7  }
0x121: {  	[tilespmem:v7+s6+$0x0] =	vst.idx.add.f32.msk $0xffff, v6  }
0x122: {  	v7 =	vld [tilespmem:$0x7820];
	_ =	sdelay $0x7  }
0x123: {  	[tilespmem:v7+s6+$0x0] =	vst.idx.add.f32.msk $0xffff, v6  }
0x124: {  	v7 =	vld [tilespmem:$0x7830];
	_ =	sdelay $0x7  }
0x125: {  	[tilespmem:v7+s6+$0x0] =	vst.idx.add.f32.msk $0xffff, v6  }
0x126: {  	v7 =	vld [tilespmem:$0x7840];
	_ =	sdelay $0x7  }
0x127: {  	[tilespmem:v7+s6+$0x0] =	vst.idx.add.f32.msk $0xffff, v6  }
0x128: {  	p4 =	seq.s32 s2, $0x4B0;
	_ =	swait.ge [sflag:s23], $0x2800  }
0x129: {  	s28 =	simm.s32 @!p4 $0x0;
	[sflag:s23] =	ssyncset.done $0x0  }
0x12a: {  	s29 =	simm.s32 @!p4 $0x7900;
	s26 =	sadd.s32 @!p4 s2, s11;
	[sflag:s23] =	ssyncadd.s32 $0xFFFFD800  }
0x12b: {  	[tilespmem:s29], [sflag:$0x3] =	stream.linear.gather @!p4 [hbm4b:s26+s28], $0x50, $0x38;
	[tilespmem:$0x1DD00] =	vst v63  }
0x12c: {  	s26 =	sadd.s32 @!p4 $0x500, s14;
	s29 =	simm.s32 @!p4 $0x5000  }
0x12d: {  	[tilespmem:s29], [sflag:$0x3] =	stream.linear.gather @!p4 [hbm4b:s26+s28], $0x2800, $0x38;
	[tilespmem:$0x1DD00] =	vst v63  }
0x12e: {  	_ =	swait.ge [sflag:s19], $0x50  }
0x12f: {  	[sflag:s19] =	ssyncset.done $0x0  }
0x130: {  	[sflag:s19] =	ssyncadd.s32 $0xFFFFFFB0  }
0x131: {  	_ =	swait.ge [sflag:s19], $0x2800  }
0x132: {  	[sflag:s19] =	ssyncset.done $0x0  }
0x133: {  	[sflag:s19] =	ssyncadd.s32 $0xFFFFD800  }
0x134: {  	[spmem:s13] =	stream.indirect.scatter.add.f32 [tilespmem:s5], [sflag:$0x5], $0x80, s4, s9, $0xb8;
	[tilespmem:$0x1DD00] =	vst v63  }
0x135: {  	v7 =	vld [tilespmem:$0x7880];
	_ =	sdelay $0x7  }
0x136: {  	[tilespmem:v7+s6+$0x0] =	vst.idx.add.f32.msk $0xffff, v6  }
0x137: {  	v7 =	vld [tilespmem:$0x7890];
	_ =	sdelay $0x7  }
0x138: {  	[tilespmem:v7+s6+$0x0] =	vst.idx.add.f32.msk $0xffff, v6  }
0x139: {  	v7 =	vld [tilespmem:$0x78A0];
	_ =	sdelay $0x7  }
0x13a: {  	[tilespmem:v7+s6+$0x0] =	vst.idx.add.f32.msk $0xffff, v6  }
0x13b: {  	v7 =	vld [tilespmem:$0x78B0];
	_ =	sdelay $0x7  }
0x13c: {  	[tilespmem:v7+s6+$0x0] =	vst.idx.add.f32.msk $0xffff, v6  }
0x13d: {  	v7 =	vld [tilespmem:$0x78C0];
	_ =	sdelay $0x6  }
.Ltmp3:
0x13e: {  	_ = 	snop;
	(pc) =	sbr.rel @p4 .LBB2_6-.Ltmp3, $4  }
0x13f: {  	[tilespmem:v7+s6+$0x0] =	vst.idx.add.f32.msk $0xffff, v6  }
0x140: {  	_ =	swait.ge [sflag:s20], $0x2800  }
0x141: {  	[sflag:s20] =	ssyncset.done $0x0  }
0x142: {  	[sflag:s20] =	ssyncadd.s32 $0xFFFFD800  }
.Ltmp4:
0x143: {  	(pc) =	sbr.rel .LBB2_4-.Ltmp4, $4  }
0x144: {  	s26 =	sadd.s32 s2, s15  }
0x145: {  	[tilespmem:s3], [sflag:$0x1] =	stream.linear.gather [hbm4b:s26+s10], $0x50, $0x38;
	[tilespmem:$0x1DD00] =	vst v63  }
0x146: {  	s29 =	sadd.s32 $0xA00, s14;
	s2 =	sadd.s32 $0x1E, s2;
	s14 =	sadd.s32 $0xF00, s14  }
0x147: {  	[tilespmem:s10], [sflag:$0x1] =	stream.linear.gather [hbm4b:s29+s10], $0x2800, $0x38;
	[tilespmem:$0x1DD00] =	vst v63  }
.LBB2_7:
0x148: {  	_ =	sfence.sel $0x180000  }
0x149: {  	[bflag:$0x0] =	sbarrier.arrive $0xFFFF  }
0x14a: {  	_ =	strace $0x90000047  }
0x14b: {  	s0 =	stileid.u32;
	[bflag:$0x2] =	sbarrier.arrive $0xFFFF  }
0x14c: {  	p0 =	sne.s32 s0, $0x0;
	s0 =	rddreg [dreg:$0x5]  }
0x14d: {  	s0 =	sadd.s32 @!p0 $0x100000, s0  }
0x14e: {  	[sflag:s0] =	ssyncadd.tile.s32 @!p0 $0x1;
	_ =	shalt  }
.Lfunc_end2:
_tile_overlayer_lowered:
.L_overlay_start_2:
0x14f: {  	(tag) =	ssettag $0x2  }
0x150: {  	s0 =	rddreg [dreg:$0x0];
	s2 =	stileid.u32  }
0x151: {  	s1 =	rddreg [dreg:$0x1];
	p0 =	sne.s32 s2, $0x0  }
0x152: {  	s3 =	rddreg [dreg:$0x2];
	[bflag:$0x3] =	sbarrier.arrive $0xFFFF;
	s2 =	simm.s32 @!p0 $0x1C07  }
0x153: {  	[timem:s3], [sflag:s2] =	dma.local @!p0 [hbm:s0], s1  }
0x154: {  	s0 =	simm.s32 @!p0 $0x7  }
0x155: {  	_ =	swait.ge @!p0 [sflag:s0], s1  }
0x156: {  	s1 =	ssub.s32 @!p0 $0x0, s1;
	[sflag:s0] =	ssyncset.done @!p0 $0x0  }
0x157: {  	[sflag:s0] =	ssyncadd.s32 @!p0 s1  }
0x158: {  	[bflag:$0x3] =	sbarrier.arrive $0xFFFF  }
0x159: {  	_ =	shalt  }

</sc_bundles>
